<compile_context>
chip_gen: v7x
topology: tpu7x:2x2x1
jax: 0.10.2.dev20260603
libtpu: 0.0.44.dev20260713+nightly
codegen_flags: <defaults>
</compile_context>

<pallas_src>
import jax
import jax.numpy as jnp
from jax import lax
from jax.experimental import pallas as pl
from jax.experimental.pallas import tpu as pltpu
from jax.experimental.pallas import tpu_sc as plsc


_ROWS = 2048
_COLS = 8192
_NW = 32
_RPW = _ROWS // _NW
_CHR = 4
_NCH = _RPW // _CHR


def _sc_body(w_hbm, t_hbm, o_hbm, w_v, o_v, t_v):
    c = lax.axis_index("c")
    s_ax = lax.axis_index("s")
    wid = s_ax * 2 + c
    r0 = wid * _RPW

    pltpu.sync_copy(t_hbm.at[pl.ds(r0, _RPW)], t_v)
    for j in range(_RPW // 16):
        t16 = t_v[pl.ds(j * 16, 16)]
        t_v[pl.ds(j * 16, 16)] = 1.0 / (1.0 + jnp.exp(-t16))

    def chunk(ci, carry):
        row = r0 + ci * _CHR
        pltpu.sync_copy(w_hbm.at[pl.ds(row, _CHR), :], w_v)
        for r in range(_CHR):
            lrow = ci * _CHR + r
            blk = lrow // 16
            lane = lrow % 16
            t16 = t_v[pl.ds(blk * 16, 16)]
            starts = jnp.full((16, 1), lane, jnp.int32)
            s = lax.gather(
                t16, starts,
                lax.GatherDimensionNumbers(
                    offset_dims=(), collapsed_slice_dims=(0,),
                    start_index_map=(0,)),
                slice_sizes=(1,),
                mode=lax.GatherScatterMode.PROMISE_IN_BOUNDS)

            def inner(k, c2):
                v = w_v[r, pl.ds(k * 16, 16)]
                o_v[r, pl.ds(k * 16, 16)] = (
                    jnp.maximum(v - s, 0.0) + jnp.minimum(v + s, 0.0))
                return c2

            lax.fori_loop(0, _COLS // 16, inner, 0, unroll=8)
        pltpu.sync_copy(o_v, o_hbm.at[pl.ds(row, _CHR), :])
        return carry

    lax.fori_loop(0, _NCH, chunk, 0)


_sc_call = pl.kernel(
    _sc_body,
    out_type=jax.ShapeDtypeStruct((_ROWS, _COLS), jnp.float32),
    mesh=plsc.VectorSubcoreMesh(core_axis_name="c", subcore_axis_name="s"),
    scratch_types=[
        pltpu.VMEM((_CHR, _COLS), jnp.float32),
        pltpu.VMEM((_CHR, _COLS), jnp.float32),
        pltpu.VMEM((_RPW,), jnp.float32),
    ],
)


def kernel(weight, threshold, alpha):
    return _sc_call(weight, jnp.reshape(threshold, (_ROWS,)))

# --- scband reference (transcript-rebuilt; emitter-appended) ---
"""Pipeline reference for scband-auto-sparse-36532991820369 (READ-ONLY COPY).

The authoritative reference and input builder live on the scoring server;
editing this copy changes nothing except your own understanding.
"""

import jax, jax.numpy as jnp
import numpy as np

BACKWARD_SPARSITY = True
BACKWARD_SPARSITY_FRAC = 0.5


@jax.custom_vjp
def autosparse_prune(x, alpha):
    # Eager keras forward also computes the kth value via top_k; keep it here
    # so the forward cost is faithful when run eagerly.
    mask = jax.nn.relu(x)
    x_flat = jnp.reshape(x, (-1,))
    k = int(x_flat.size * BACKWARD_SPARSITY_FRAC)
    topks = jax.lax.top_k(x_flat, k)[0]
    _ = topks[-1]
    return mask


def _autosparse_prune_fwd(x, alpha):
    mask = jax.nn.relu(x)
    x_flat = jnp.reshape(x, (-1,))
    k = int(x_flat.size * BACKWARD_SPARSITY_FRAC)
    topks = jax.lax.top_k(x_flat, k)[0]
    kth_value = topks[-1]
    return mask, (x, alpha, kth_value)


def _autosparse_prune_bwd(res, upstream):
    x, alpha, kth_value = res
    grads = jnp.where(x <= 0, alpha, 1.0)
    if BACKWARD_SPARSITY:
        grads = jnp.where(x < kth_value, 0.0, grads)
    return (grads * upstream, jnp.zeros_like(alpha))


autosparse_prune.defvjp(_autosparse_prune_fwd, _autosparse_prune_bwd)


def setup_inputs(seed: int = 0) -> dict:
    key = jax.random.key(seed)
    k1, _ = jax.random.split(key)
    weight = jax.random.normal(k1, (2048, 8192), dtype=jnp.float32)
    # learned per-channel threshold, shape (out_size, 1), init threshold_init * ones
    threshold = -5.0 * jnp.ones((2048, 1), dtype=jnp.float32)
    alpha = jnp.asarray(1.0, dtype=jnp.float32)
    return {"weight": weight, "threshold": threshold, "alpha": alpha}


def reference(weight, threshold, alpha):
    # sign(W) * ReLU(|W| - sigmoid(threshold))
    weight_reshaped = jnp.reshape(weight, (weight.shape[0], -1))
    w_t = jnp.abs(weight_reshaped) - jax.nn.sigmoid(threshold)
    mask = autosparse_prune(w_t, alpha)
    return jnp.sign(weight) * jnp.reshape(mask, weight.shape)

if __name__ == "__main__":
    import jax
    _d = setup_inputs()
    print(jax.jit(kernel)(*tuple(_d.values())))

</pallas_src>

<mosaic_0001>
#map = affine_map<(d0, d1) -> (0, 0)>
#map1 = affine_map<(d0, d1) -> (0)>
module attributes {stable_mosaic.version = 14 : i64} {
  func.func @_sc_body(%arg0: i32, %arg1: i32, %arg2: memref<2048x8192xf32, #tpu.memory_space<hbm>>, %arg3: memref<2048xf32, #tpu.memory_space<hbm>>, %arg4: memref<2048x8192xf32, #tpu.memory_space<hbm>>, %arg5: memref<4x8192xf32, #tpu.memory_space<vmem>>, %arg6: memref<4x8192xf32, #tpu.memory_space<vmem>>, %arg7: memref<64xf32, #tpu.memory_space<vmem>>) attributes {dimension_semantics = [#tpu.dimension_semantics<core_parallel>, #tpu.dimension_semantics<subcore_parallel>], iteration_bounds = array<i64: 2, 16>, scalar_prefetch = 0 : i64, scratch_operands = 3 : i64, tpu.core_type = #tpu.core_type<sc_vector_subcore>, window_params = [{transform_indices = #map}, {transform_indices = #map1}, {transform_indices = #map}]} {
    %mul3A = arith.constant 2 : i32
    %mul3A_0 = arith.muli %arg1, %mul3A : i32
    %add3A = arith.addi %mul3A_0, %arg0 : i32
    %mul3A_1 = arith.constant 64 : i32
    %mul3A_2 = arith.muli %add3A, %mul3A_1 : i32
    "tpu.region"() ({
      %run_scoped3A = tpu.sem_alloc : memref<!tpu.dma_semaphore, #tpu.memory_space<semaphore_mem>>
      %dma_start3A = tpu.memref_slice %arg3[%mul3A_2] : memref<2048xf32, #tpu.memory_space<hbm>> -> memref<64xf32, #tpu.memory_space<hbm>>
      %dma_start3A_71 = tpu.memref_slice %arg3[%mul3A_2] : memref<2048xf32, #tpu.memory_space<hbm>> -> memref<64xf32, #tpu.memory_space<hbm>>
      tpu.enqueue_dma source(%dma_start3A_71 : memref<64xf32, #tpu.memory_space<hbm>>) target(%arg7 : memref<64xf32, #tpu.memory_space<vmem>>) target_semaphore(%run_scoped3A : memref<!tpu.dma_semaphore, #tpu.memory_space<semaphore_mem>>)
      %dma_wait3A = tpu.memref_slice %arg3[%mul3A_2] : memref<2048xf32, #tpu.memory_space<hbm>> -> memref<64xf32, #tpu.memory_space<hbm>>
      %dma_wait3A_72 = tpu.memref_slice %arg3[%mul3A_2] : memref<2048xf32, #tpu.memory_space<hbm>> -> memref<64xf32, #tpu.memory_space<hbm>>
      tpu.wait_dma2 semaphore(%run_scoped3A : memref<!tpu.dma_semaphore, #tpu.memory_space<semaphore_mem>>) src(%dma_wait3A_72 : memref<64xf32, #tpu.memory_space<hbm>>) dst(%arg7 : memref<64xf32, #tpu.memory_space<vmem>>)
      tpu.yield
    }) : () -> ()
    %get3A = arith.constant 0 : index
    %get3A_3 = tpu.vector_load %arg7[%get3A] {strides = array<i32>} : memref<64xf32, #tpu.memory_space<vmem>>, vector<16xf32>,
    %get3A_4 = vector.shape_cast %get3A_3 : vector<16xf32> to vector<16xf32>
    %neg3A = arith.constant 0.000000e+00 : f32
    %neg3A_5 = vector.broadcast %neg3A : f32 to vector<16xf32>
    %neg3A_6 = arith.subf %neg3A_5, %get3A_4 : vector<16xf32>
    %exp3A = math.exp %neg3A_6 : vector<16xf32>
    %add3A_7 = arith.constant 1.000000e+00 : f32
    %add3A_8 = vector.broadcast %add3A_7 : f32 to vector<16xf32>
    %add3A_9 = arith.addf %add3A_8, %exp3A : vector<16xf32>
    %div3A = arith.constant 1.000000e+00 : f32
    %div3A_10 = vector.broadcast %div3A : f32 to vector<16xf32>
    %div3A_11 = arith.divf %div3A_10, %add3A_9 : vector<16xf32>
    %swap3A = arith.constant 0 : index
    %swap3A_12 = tpu.vector_load %arg7[%swap3A] {strides = array<i32>} : memref<64xf32, #tpu.memory_space<vmem>>, vector<16xf32>,
    %swap3A_13 = vector.shape_cast %swap3A_12 : vector<16xf32> to vector<16xf32>
    %swap3A_14 = vector.shape_cast %div3A_11 : vector<16xf32> to vector<16xf32>
    tpu.vector_store %arg7[%swap3A], %swap3A_14 {strides = array<i32>} : memref<64xf32, #tpu.memory_space<vmem>>, vector<16xf32>,
    %get3A_15 = arith.constant 16 : index
    %get3A_16 = tpu.vector_load %arg7[%get3A_15] {strides = array<i32>} : memref<64xf32, #tpu.memory_space<vmem>>, vector<16xf32>,
    %get3A_17 = vector.shape_cast %get3A_16 : vector<16xf32> to vector<16xf32>
    %neg3A_18 = arith.constant 0.000000e+00 : f32
    %neg3A_19 = vector.broadcast %neg3A_18 : f32 to vector<16xf32>
    %neg3A_20 = arith.subf %neg3A_19, %get3A_17 : vector<16xf32>
    %exp3A_21 = math.exp %neg3A_20 : vector<16xf32>
    %add3A_22 = arith.constant 1.000000e+00 : f32
    %add3A_23 = vector.broadcast %add3A_22 : f32 to vector<16xf32>
    %add3A_24 = arith.addf %add3A_23, %exp3A_21 : vector<16xf32>
    %div3A_25 = arith.constant 1.000000e+00 : f32
    %div3A_26 = vector.broadcast %div3A_25 : f32 to vector<16xf32>
    %div3A_27 = arith.divf %div3A_26, %add3A_24 : vector<16xf32>
    %swap3A_28 = arith.constant 16 : index
    %swap3A_29 = tpu.vector_load %arg7[%swap3A_28] {strides = array<i32>} : memref<64xf32, #tpu.memory_space<vmem>>, vector<16xf32>,
    %swap3A_30 = vector.shape_cast %swap3A_29 : vector<16xf32> to vector<16xf32>
    %swap3A_31 = vector.shape_cast %div3A_27 : vector<16xf32> to vector<16xf32>
    tpu.vector_store %arg7[%swap3A_28], %swap3A_31 {strides = array<i32>} : memref<64xf32, #tpu.memory_space<vmem>>, vector<16xf32>,
    %get3A_32 = arith.constant 32 : index
    %get3A_33 = tpu.vector_load %arg7[%get3A_32] {strides = array<i32>} : memref<64xf32, #tpu.memory_space<vmem>>, vector<16xf32>,
    %get3A_34 = vector.shape_cast %get3A_33 : vector<16xf32> to vector<16xf32>
    %neg3A_35 = arith.constant 0.000000e+00 : f32
    %neg3A_36 = vector.broadcast %neg3A_35 : f32 to vector<16xf32>
    %neg3A_37 = arith.subf %neg3A_36, %get3A_34 : vector<16xf32>
    %exp3A_38 = math.exp %neg3A_37 : vector<16xf32>
    %add3A_39 = arith.constant 1.000000e+00 : f32
    %add3A_40 = vector.broadcast %add3A_39 : f32 to vector<16xf32>
    %add3A_41 = arith.addf %add3A_40, %exp3A_38 : vector<16xf32>
    %div3A_42 = arith.constant 1.000000e+00 : f32
    %div3A_43 = vector.broadcast %div3A_42 : f32 to vector<16xf32>
    %div3A_44 = arith.divf %div3A_43, %add3A_41 : vector<16xf32>
    %swap3A_45 = arith.constant 32 : index
    %swap3A_46 = tpu.vector_load %arg7[%swap3A_45] {strides = array<i32>} : memref<64xf32, #tpu.memory_space<vmem>>, vector<16xf32>,
    %swap3A_47 = vector.shape_cast %swap3A_46 : vector<16xf32> to vector<16xf32>
    %swap3A_48 = vector.shape_cast %div3A_44 : vector<16xf32> to vector<16xf32>
    tpu.vector_store %arg7[%swap3A_45], %swap3A_48 {strides = array<i32>} : memref<64xf32, #tpu.memory_space<vmem>>, vector<16xf32>,
    %get3A_49 = arith.constant 48 : index
    %get3A_50 = tpu.vector_load %arg7[%get3A_49] {strides = array<i32>} : memref<64xf32, #tpu.memory_space<vmem>>, vector<16xf32>,
    %get3A_51 = vector.shape_cast %get3A_50 : vector<16xf32> to vector<16xf32>
    %neg3A_52 = arith.constant 0.000000e+00 : f32
    %neg3A_53 = vector.broadcast %neg3A_52 : f32 to vector<16xf32>
    %neg3A_54 = arith.subf %neg3A_53, %get3A_51 : vector<16xf32>
    %exp3A_55 = math.exp %neg3A_54 : vector<16xf32>
    %add3A_56 = arith.constant 1.000000e+00 : f32
    %add3A_57 = vector.broadcast %add3A_56 : f32 to vector<16xf32>
    %add3A_58 = arith.addf %add3A_57, %exp3A_55 : vector<16xf32>
    %div3A_59 = arith.constant 1.000000e+00 : f32
    %div3A_60 = vector.broadcast %div3A_59 : f32 to vector<16xf32>
    %div3A_61 = arith.divf %div3A_60, %add3A_58 : vector<16xf32>
    %swap3A_62 = arith.constant 48 : index
    %swap3A_63 = tpu.vector_load %arg7[%swap3A_62] {strides = array<i32>} : memref<64xf32, #tpu.memory_space<vmem>>, vector<16xf32>,
    %swap3A_64 = vector.shape_cast %swap3A_63 : vector<16xf32> to vector<16xf32>
    %swap3A_65 = vector.shape_cast %div3A_61 : vector<16xf32> to vector<16xf32>
    tpu.vector_store %arg7[%swap3A_62], %swap3A_65 {strides = array<i32>} : memref<64xf32, #tpu.memory_space<vmem>>, vector<16xf32>,
    %scan3A = arith.constant 0 : i32
    %scan3A_66 = arith.constant 0 : i32
    %scan3A_67 = arith.constant 16 : i32
    %scan3A_68 = arith.addi %scan3A_66, %scan3A_67 : i32
    %scan3A_69 = arith.constant 1 : i32
    scf.for %scan3A_71 = %scan3A_66 to %scan3A_68 step %scan3A_69  : i32 {
      %mul3A_72 = arith.constant 4 : i32
      %mul3A_73 = arith.muli %scan3A_71, %mul3A_72 : i32
      %add3A_74 = arith.addi %mul3A_2, %mul3A_73 : i32
      "tpu.region"() ({
        %run_scoped3A = tpu.sem_alloc : memref<!tpu.dma_semaphore, #tpu.memory_space<semaphore_mem>>
        %dma_start3A = arith.constant 0 : i32
        %dma_start3A_296 = tpu.memref_slice %arg2[%add3A_74, %dma_start3A] : memref<2048x8192xf32, #tpu.memory_space<hbm>> -> memref<4x8192xf32, #tpu.memory_space<hbm>>
        %dma_start3A_297 = arith.constant 0 : i32
        %dma_start3A_298 = tpu.memref_slice %arg2[%add3A_74, %dma_start3A_297] : memref<2048x8192xf32, #tpu.memory_space<hbm>> -> memref<4x8192xf32, #tpu.memory_space<hbm>>
        tpu.enqueue_dma source(%dma_start3A_298 : memref<4x8192xf32, #tpu.memory_space<hbm>>) target(%arg5 : memref<4x8192xf32, #tpu.memory_space<vmem>>) target_semaphore(%run_scoped3A : memref<!tpu.dma_semaphore, #tpu.memory_space<semaphore_mem>>)
        %dma_wait3A = arith.constant 0 : i32
        %dma_wait3A_299 = tpu.memref_slice %arg2[%add3A_74, %dma_wait3A] : memref<2048x8192xf32, #tpu.memory_space<hbm>> -> memref<4x8192xf32, #tpu.memory_space<hbm>>
        %dma_wait3A_300 = arith.constant 0 : i32
        %dma_wait3A_301 = tpu.memref_slice %arg2[%add3A_74, %dma_wait3A_300] : memref<2048x8192xf32, #tpu.memory_space<hbm>> -> memref<4x8192xf32, #tpu.memory_space<hbm>>
        tpu.wait_dma2 semaphore(%run_scoped3A : memref<!tpu.dma_semaphore, #tpu.memory_space<semaphore_mem>>) src(%dma_wait3A_301 : memref<4x8192xf32, #tpu.memory_space<hbm>>) dst(%arg5 : memref<4x8192xf32, #tpu.memory_space<vmem>>)
        tpu.yield
      }) : () -> ()
      %mul3A_75 = arith.constant 4 : i32
      %mul3A_76 = arith.muli %scan3A_71, %mul3A_75 : i32
      %add3A_77 = arith.constant 0 : i32
      %add3A_78 = arith.addi %mul3A_76, %add3A_77 : i32
      %jit3A = arith.constant 16 : i32
      %div3A_79 = arith.divsi %add3A_78, %jit3A : i32
      %sign3A = arith.constant 0 : i32
      %sign3A_80 = arith.cmpi sgt, %add3A_78, %sign3A : i32
      %sign3A_81 = arith.extui %sign3A_80 : i1 to i32
      %sign3A_82 = arith.constant 0 : i32
      %sign3A_83 = arith.cmpi slt, %add3A_78, %sign3A_82 : i32
      %sign3A_84 = arith.extui %sign3A_83 : i1 to i32
      %sign3A_85 = arith.subi %sign3A_81, %sign3A_84 : i32
      %sign3A_86 = arith.constant 0 : i32
      %sign3A_87 = arith.cmpi sgt, %jit3A, %sign3A_86 : i32
      %sign3A_88 = arith.extui %sign3A_87 : i1 to i32
      %sign3A_89 = arith.constant 0 : i32
      %sign3A_90 = arith.cmpi slt, %jit3A, %sign3A_89 : i32
      %sign3A_91 = arith.extui %sign3A_90 : i1 to i32
      %sign3A_92 = arith.subi %sign3A_88, %sign3A_91 : i32
      %ne3A = arith.cmpi ne, %sign3A_85, %sign3A_92 : i32
      %rem3A = arith.remsi %add3A_78, %jit3A : i32
      %ne3A_93 = arith.constant 0 : i32
      %ne3A_94 = arith.cmpi ne, %rem3A, %ne3A_93 : i32
      %and3A = arith.andi %ne3A, %ne3A_94 : i1
      %sub3A = arith.constant 1 : i32
      %sub3A_95 = arith.subi %div3A_79, %sub3A : i32
      %select_n3A = arith.select %and3A, %sub3A_95, %div3A_79 : i32
      %jit3A_96 = arith.constant 16 : i32
      %eq3A = arith.constant 0 : i32
      %eq3A_97 = arith.cmpi eq, %jit3A_96, %eq3A : i32
      %jit3A_98 = arith.constant 1 : i32
      %select_n3A_99 = arith.select %eq3A_97, %jit3A_98, %jit3A_96 : i32
      %rem3A_100 = arith.remsi %add3A_78, %select_n3A_99 : i32
      %ne3A_101 = arith.constant 0 : i32
      %ne3A_102 = arith.cmpi ne, %rem3A_100, %ne3A_101 : i32
      %lt3A = arith.constant 0 : i32
      %lt3A_103 = arith.cmpi slt, %rem3A_100, %lt3A : i32
      %lt3A_104 = arith.constant 0 : i32
      %lt3A_105 = arith.cmpi slt, %select_n3A_99, %lt3A_104 : i32
      %ne3A_106 = arith.xori %lt3A_103, %lt3A_105 : i1
      %and3A_107 = arith.andi %ne3A_106, %ne3A_102 : i1
      %add3A_108 = arith.addi %rem3A_100, %select_n3A_99 : i32
      %select_n3A_109 = arith.select %and3A_107, %add3A_108, %rem3A_100 : i32
      %mul3A_110 = arith.constant 16 : i32
      %mul3A_111 = arith.muli %select_n3A, %mul3A_110 : i32
      %get3A_112 = arith.index_cast %mul3A_111 : i32 to index
      %get3A_113 = tpu.vector_load %arg7[%get3A_112] {strides = array<i32>} : memref<64xf32, #tpu.memory_space<vmem>>, vector<16xf32>,
      %get3A_114 = vector.shape_cast %get3A_113 : vector<16xf32> to vector<16xf32>
      %broadcast_in_dim3A = vector.broadcast %select_n3A_109 : i32 to vector<16x1xi32>
      %gather3A = vector.shape_cast %broadcast_in_dim3A : vector<16x1xi32> to vector<16xi32>
      %gather3A_115 = tpu.dynamic_gather %get3A_114[%gather3A] in [0] : vector<16xf32>, vector<16xi32> -> vector<16xf32>
      %scan3A_116 = arith.constant 0 : i32
      %scan3A_117 = arith.constant 0 : i32
      %scan3A_118 = arith.constant 512 : i32
      %scan3A_119 = arith.addi %scan3A_117, %scan3A_118 : i32
      %scan3A_120 = arith.constant 8 : i32
      scf.for %scan3A_296 = %scan3A_117 to %scan3A_119 step %scan3A_120  : i32 {
        %mul3A_297 = arith.constant 16 : i32
        %mul3A_298 = arith.muli %scan3A_296, %mul3A_297 : i32
        %get3A_299 = arith.constant 0 : i32
        %get3A_300 = arith.index_cast %get3A_299 : i32 to index
        %get3A_301 = arith.index_cast %mul3A_298 : i32 to index
        %get3A_302 = tpu.vector_load %arg5[%get3A_300, %get3A_301] {strides = array<i32>} : memref<4x8192xf32, #tpu.memory_space<vmem>>, vector<1x16xf32>,
        %get3A_303 = vector.shape_cast %get3A_302 : vector<1x16xf32> to vector<16xf32>
        %sub3A_304 = arith.subf %get3A_303, %gather3A_115 : vector<16xf32>
        %max3A = arith.constant 0.000000e+00 : f32
        %max3A_305 = vector.broadcast %max3A : f32 to vector<16xf32>
        %max3A_306 = arith.maximumf %sub3A_304, %max3A_305 : vector<16xf32>
        %add3A_307 = arith.addf %get3A_303, %gather3A_115 : vector<16xf32>
        %min3A = arith.constant 0.000000e+00 : f32
        %min3A_308 = vector.broadcast %min3A : f32 to vector<16xf32>
        %min3A_309 = arith.minimumf %add3A_307, %min3A_308 : vector<16xf32>
        %add3A_310 = arith.addf %max3A_306, %min3A_309 : vector<16xf32>
        %mul3A_311 = arith.constant 16 : i32
        %mul3A_312 = arith.muli %scan3A_296, %mul3A_311 : i32
        %swap3A_313 = arith.constant 0 : i32
        %swap3A_314 = arith.index_cast %swap3A_313 : i32 to index
        %swap3A_315 = arith.index_cast %mul3A_312 : i32 to index
        %swap3A_316 = tpu.vector_load %arg6[%swap3A_314, %swap3A_315] {strides = array<i32>} : memref<4x8192xf32, #tpu.memory_space<vmem>>, vector<1x16xf32>,
        %swap3A_317 = vector.shape_cast %swap3A_316 : vector<1x16xf32> to vector<16xf32>
        %swap3A_318 = vector.shape_cast %add3A_310 : vector<16xf32> to vector<1x16xf32>
        tpu.vector_store %arg6[%swap3A_314, %swap3A_315], %swap3A_318 {strides = array<i32>} : memref<4x8192xf32, #tpu.memory_space<vmem>>, vector<1x16xf32>,
        %scan3A_319 = arith.constant 1 : i32
        %scan3A_320 = arith.addi %scan3A_296, %scan3A_319 : i32
        %mul3A_321 = arith.constant 16 : i32
        %mul3A_322 = arith.muli %scan3A_320, %mul3A_321 : i32
        %get3A_323 = arith.constant 0 : i32
        %get3A_324 = arith.index_cast %get3A_323 : i32 to index
        %get3A_325 = arith.index_cast %mul3A_322 : i32 to index
        %get3A_326 = tpu.vector_load %arg5[%get3A_324, %get3A_325] {strides = array<i32>} : memref<4x8192xf32, #tpu.memory_space<vmem>>, vector<1x16xf32>,
        %get3A_327 = vector.shape_cast %get3A_326 : vector<1x16xf32> to vector<16xf32>
        %sub3A_328 = arith.subf %get3A_327, %gather3A_115 : vector<16xf32>
        %max3A_329 = arith.constant 0.000000e+00 : f32
        %max3A_330 = vector.broadcast %max3A_329 : f32 to vector<16xf32>
        %max3A_331 = arith.maximumf %sub3A_328, %max3A_330 : vector<16xf32>
        %add3A_332 = arith.addf %get3A_327, %gather3A_115 : vector<16xf32>
        %min3A_333 = arith.constant 0.000000e+00 : f32
        %min3A_334 = vector.broadcast %min3A_333 : f32 to vector<16xf32>
        %min3A_335 = arith.minimumf %add3A_332, %min3A_334 : vector<16xf32>
        %add3A_336 = arith.addf %max3A_331, %min3A_335 : vector<16xf32>
        %mul3A_337 = arith.constant 16 : i32
        %mul3A_338 = arith.muli %scan3A_320, %mul3A_337 : i32
        %swap3A_339 = arith.constant 0 : i32
        %swap3A_340 = arith.index_cast %swap3A_339 : i32 to index
        %swap3A_341 = arith.index_cast %mul3A_338 : i32 to index
        %swap3A_342 = tpu.vector_load %arg6[%swap3A_340, %swap3A_341] {strides = array<i32>} : memref<4x8192xf32, #tpu.memory_space<vmem>>, vector<1x16xf32>,
        %swap3A_343 = vector.shape_cast %swap3A_342 : vector<1x16xf32> to vector<16xf32>
        %swap3A_344 = vector.shape_cast %add3A_336 : vector<16xf32> to vector<1x16xf32>
        tpu.vector_store %arg6[%swap3A_340, %swap3A_341], %swap3A_344 {strides = array<i32>} : memref<4x8192xf32, #tpu.memory_space<vmem>>, vector<1x16xf32>,
        %scan3A_345 = arith.constant 2 : i32
        %scan3A_346 = arith.addi %scan3A_296, %scan3A_345 : i32
        %mul3A_347 = arith.constant 16 : i32
        %mul3A_348 = arith.muli %scan3A_346, %mul3A_347 : i32
        %get3A_349 = arith.constant 0 : i32
        %get3A_350 = arith.index_cast %get3A_349 : i32 to index
        %get3A_351 = arith.index_cast %mul3A_348 : i32 to index
        %get3A_352 = tpu.vector_load %arg5[%get3A_350, %get3A_351] {strides = array<i32>} : memref<4x8192xf32, #tpu.memory_space<vmem>>, vector<1x16xf32>,
        %get3A_353 = vector.shape_cast %get3A_352 : vector<1x16xf32> to vector<16xf32>
        %sub3A_354 = arith.subf %get3A_353, %gather3A_115 : vector<16xf32>
        %max3A_355 = arith.constant 0.000000e+00 : f32
        %max3A_356 = vector.broadcast %max3A_355 : f32 to vector<16xf32>
        %max3A_357 = arith.maximumf %sub3A_354, %max3A_356 : vector<16xf32>
        %add3A_358 = arith.addf %get3A_353, %gather3A_115 : vector<16xf32>
        %min3A_359 = arith.constant 0.000000e+00 : f32
        %min3A_360 = vector.broadcast %min3A_359 : f32 to vector<16xf32>
        %min3A_361 = arith.minimumf %add3A_358, %min3A_360 : vector<16xf32>
        %add3A_362 = arith.addf %max3A_357, %min3A_361 : vector<16xf32>
        %mul3A_363 = arith.constant 16 : i32
        %mul3A_364 = arith.muli %scan3A_346, %mul3A_363 : i32
        %swap3A_365 = arith.constant 0 : i32
        %swap3A_366 = arith.index_cast %swap3A_365 : i32 to index
        %swap3A_367 = arith.index_cast %mul3A_364 : i32 to index
        %swap3A_368 = tpu.vector_load %arg6[%swap3A_366, %swap3A_367] {strides = array<i32>} : memref<4x8192xf32, #tpu.memory_space<vmem>>, vector<1x16xf32>,
        %swap3A_369 = vector.shape_cast %swap3A_368 : vector<1x16xf32> to vector<16xf32>
        %swap3A_370 = vector.shape_cast %add3A_362 : vector<16xf32> to vector<1x16xf32>
        tpu.vector_store %arg6[%swap3A_366, %swap3A_367], %swap3A_370 {strides = array<i32>} : memref<4x8192xf32, #tpu.memory_space<vmem>>, vector<1x16xf32>,
        %scan3A_371 = arith.constant 3 : i32
        %scan3A_372 = arith.addi %scan3A_296, %scan3A_371 : i32
        %mul3A_373 = arith.constant 16 : i32
        %mul3A_374 = arith.muli %scan3A_372, %mul3A_373 : i32
        %get3A_375 = arith.constant 0 : i32
        %get3A_376 = arith.index_cast %get3A_375 : i32 to index
        %get3A_377 = arith.index_cast %mul3A_374 : i32 to index
        %get3A_378 = tpu.vector_load %arg5[%get3A_376, %get3A_377] {strides = array<i32>} : memref<4x8192xf32, #tpu.memory_space<vmem>>, vector<1x16xf32>,
        %get3A_379 = vector.shape_cast %get3A_378 : vector<1x16xf32> to vector<16xf32>
        %sub3A_380 = arith.subf %get3A_379, %gather3A_115 : vector<16xf32>
        %max3A_381 = arith.constant 0.000000e+00 : f32
        %max3A_382 = vector.broadcast %max3A_381 : f32 to vector<16xf32>
        %max3A_383 = arith.maximumf %sub3A_380, %max3A_382 : vector<16xf32>
        %add3A_384 = arith.addf %get3A_379, %gather3A_115 : vector<16xf32>
        %min3A_385 = arith.constant 0.000000e+00 : f32
        %min3A_386 = vector.broadcast %min3A_385 : f32 to vector<16xf32>
        %min3A_387 = arith.minimumf %add3A_384, %min3A_386 : vector<16xf32>
        %add3A_388 = arith.addf %max3A_383, %min3A_387 : vector<16xf32>
        %mul3A_389 = arith.constant 16 : i32
        %mul3A_390 = arith.muli %scan3A_372, %mul3A_389 : i32
        %swap3A_391 = arith.constant 0 : i32
        %swap3A_392 = arith.index_cast %swap3A_391 : i32 to index
        %swap3A_393 = arith.index_cast %mul3A_390 : i32 to index
        %swap3A_394 = tpu.vector_load %arg6[%swap3A_392, %swap3A_393] {strides = array<i32>} : memref<4x8192xf32, #tpu.memory_space<vmem>>, vector<1x16xf32>,
        %swap3A_395 = vector.shape_cast %swap3A_394 : vector<1x16xf32> to vector<16xf32>
        %swap3A_396 = vector.shape_cast %add3A_388 : vector<16xf32> to vector<1x16xf32>
        tpu.vector_store %arg6[%swap3A_392, %swap3A_393], %swap3A_396 {strides = array<i32>} : memref<4x8192xf32, #tpu.memory_space<vmem>>, vector<1x16xf32>,
        %scan3A_397 = arith.constant 4 : i32
        %scan3A_398 = arith.addi %scan3A_296, %scan3A_397 : i32
        %mul3A_399 = arith.constant 16 : i32
        %mul3A_400 = arith.muli %scan3A_398, %mul3A_399 : i32
        %get3A_401 = arith.constant 0 : i32
        %get3A_402 = arith.index_cast %get3A_401 : i32 to index
        %get3A_403 = arith.index_cast %mul3A_400 : i32 to index
        %get3A_404 = tpu.vector_load %arg5[%get3A_402, %get3A_403] {strides = array<i32>} : memref<4x8192xf32, #tpu.memory_space<vmem>>, vector<1x16xf32>,
        %get3A_405 = vector.shape_cast %get3A_404 : vector<1x16xf32> to vector<16xf32>
        %sub3A_406 = arith.subf %get3A_405, %gather3A_115 : vector<16xf32>
        %max3A_407 = arith.constant 0.000000e+00 : f32
        %max3A_408 = vector.broadcast %max3A_407 : f32 to vector<16xf32>
        %max3A_409 = arith.maximumf %sub3A_406, %max3A_408 : vector<16xf32>
        %add3A_410 = arith.addf %get3A_405, %gather3A_115 : vector<16xf32>
        %min3A_411 = arith.constant 0.000000e+00 : f32
        %min3A_412 = vector.broadcast %min3A_411 : f32 to vector<16xf32>
        %min3A_413 = arith.minimumf %add3A_410, %min3A_412 : vector<16xf32>
        %add3A_414 = arith.addf %max3A_409, %min3A_413 : vector<16xf32>
        %mul3A_415 = arith.constant 16 : i32
        %mul3A_416 = arith.muli %scan3A_398, %mul3A_415 : i32
        %swap3A_417 = arith.constant 0 : i32
        %swap3A_418 = arith.index_cast %swap3A_417 : i32 to index
        %swap3A_419 = arith.index_cast %mul3A_416 : i32 to index
        %swap3A_420 = tpu.vector_load %arg6[%swap3A_418, %swap3A_419] {strides = array<i32>} : memref<4x8192xf32, #tpu.memory_space<vmem>>, vector<1x16xf32>,
        %swap3A_421 = vector.shape_cast %swap3A_420 : vector<1x16xf32> to vector<16xf32>
        %swap3A_422 = vector.shape_cast %add3A_414 : vector<16xf32> to vector<1x16xf32>
        tpu.vector_store %arg6[%swap3A_418, %swap3A_419], %swap3A_422 {strides = array<i32>} : memref<4x8192xf32, #tpu.memory_space<vmem>>, vector<1x16xf32>,
        %scan3A_423 = arith.constant 5 : i32
        %scan3A_424 = arith.addi %scan3A_296, %scan3A_423 : i32
        %mul3A_425 = arith.constant 16 : i32
        %mul3A_426 = arith.muli %scan3A_424, %mul3A_425 : i32
        %get3A_427 = arith.constant 0 : i32
        %get3A_428 = arith.index_cast %get3A_427 : i32 to index
        %get3A_429 = arith.index_cast %mul3A_426 : i32 to index
        %get3A_430 = tpu.vector_load %arg5[%get3A_428, %get3A_429] {strides = array<i32>} : memref<4x8192xf32, #tpu.memory_space<vmem>>, vector<1x16xf32>,
        %get3A_431 = vector.shape_cast %get3A_430 : vector<1x16xf32> to vector<16xf32>
        %sub3A_432 = arith.subf %get3A_431, %gather3A_115 : vector<16xf32>
        %max3A_433 = arith.constant 0.000000e+00 : f32
        %max3A_434 = vector.broadcast %max3A_433 : f32 to vector<16xf32>
        %max3A_435 = arith.maximumf %sub3A_432, %max3A_434 : vector<16xf32>
        %add3A_436 = arith.addf %get3A_431, %gather3A_115 : vector<16xf32>
        %min3A_437 = arith.constant 0.000000e+00 : f32
        %min3A_438 = vector.broadcast %min3A_437 : f32 to vector<16xf32>
        %min3A_439 = arith.minimumf %add3A_436, %min3A_438 : vector<16xf32>
        %add3A_440 = arith.addf %max3A_435, %min3A_439 : vector<16xf32>
        %mul3A_441 = arith.constant 16 : i32
        %mul3A_442 = arith.muli %scan3A_424, %mul3A_441 : i32
        %swap3A_443 = arith.constant 0 : i32
        %swap3A_444 = arith.index_cast %swap3A_443 : i32 to index
        %swap3A_445 = arith.index_cast %mul3A_442 : i32 to index
        %swap3A_446 = tpu.vector_load %arg6[%swap3A_444, %swap3A_445] {strides = array<i32>} : memref<4x8192xf32, #tpu.memory_space<vmem>>, vector<1x16xf32>,
        %swap3A_447 = vector.shape_cast %swap3A_446 : vector<1x16xf32> to vector<16xf32>
        %swap3A_448 = vector.shape_cast %add3A_440 : vector<16xf32> to vector<1x16xf32>
        tpu.vector_store %arg6[%swap3A_444, %swap3A_445], %swap3A_448 {strides = array<i32>} : memref<4x8192xf32, #tpu.memory_space<vmem>>, vector<1x16xf32>,
        %scan3A_449 = arith.constant 6 : i32
        %scan3A_450 = arith.addi %scan3A_296, %scan3A_449 : i32
        %mul3A_451 = arith.constant 16 : i32
        %mul3A_452 = arith.muli %scan3A_450, %mul3A_451 : i32
        %get3A_453 = arith.constant 0 : i32
        %get3A_454 = arith.index_cast %get3A_453 : i32 to index
        %get3A_455 = arith.index_cast %mul3A_452 : i32 to index
        %get3A_456 = tpu.vector_load %arg5[%get3A_454, %get3A_455] {strides = array<i32>} : memref<4x8192xf32, #tpu.memory_space<vmem>>, vector<1x16xf32>,
        %get3A_457 = vector.shape_cast %get3A_456 : vector<1x16xf32> to vector<16xf32>
        %sub3A_458 = arith.subf %get3A_457, %gather3A_115 : vector<16xf32>
        %max3A_459 = arith.constant 0.000000e+00 : f32
        %max3A_460 = vector.broadcast %max3A_459 : f32 to vector<16xf32>
        %max3A_461 = arith.maximumf %sub3A_458, %max3A_460 : vector<16xf32>
        %add3A_462 = arith.addf %get3A_457, %gather3A_115 : vector<16xf32>
        %min3A_463 = arith.constant 0.000000e+00 : f32
        %min3A_464 = vector.broadcast %min3A_463 : f32 to vector<16xf32>
        %min3A_465 = arith.minimumf %add3A_462, %min3A_464 : vector<16xf32>
        %add3A_466 = arith.addf %max3A_461, %min3A_465 : vector<16xf32>
        %mul3A_467 = arith.constant 16 : i32
        %mul3A_468 = arith.muli %scan3A_450, %mul3A_467 : i32
        %swap3A_469 = arith.constant 0 : i32
        %swap3A_470 = arith.index_cast %swap3A_469 : i32 to index
        %swap3A_471 = arith.index_cast %mul3A_468 : i32 to index
        %swap3A_472 = tpu.vector_load %arg6[%swap3A_470, %swap3A_471] {strides = array<i32>} : memref<4x8192xf32, #tpu.memory_space<vmem>>, vector<1x16xf32>,
        %swap3A_473 = vector.shape_cast %swap3A_472 : vector<1x16xf32> to vector<16xf32>
        %swap3A_474 = vector.shape_cast %add3A_466 : vector<16xf32> to vector<1x16xf32>
        tpu.vector_store %arg6[%swap3A_470, %swap3A_471], %swap3A_474 {strides = array<i32>} : memref<4x8192xf32, #tpu.memory_space<vmem>>, vector<1x16xf32>,
        %scan3A_475 = arith.constant 7 : i32
        %scan3A_476 = arith.addi %scan3A_296, %scan3A_475 : i32
        %mul3A_477 = arith.constant 16 : i32
        %mul3A_478 = arith.muli %scan3A_476, %mul3A_477 : i32
        %get3A_479 = arith.constant 0 : i32
        %get3A_480 = arith.index_cast %get3A_479 : i32 to index
        %get3A_481 = arith.index_cast %mul3A_478 : i32 to index
        %get3A_482 = tpu.vector_load %arg5[%get3A_480, %get3A_481] {strides = array<i32>} : memref<4x8192xf32, #tpu.memory_space<vmem>>, vector<1x16xf32>,
        %get3A_483 = vector.shape_cast %get3A_482 : vector<1x16xf32> to vector<16xf32>
        %sub3A_484 = arith.subf %get3A_483, %gather3A_115 : vector<16xf32>
        %max3A_485 = arith.constant 0.000000e+00 : f32
        %max3A_486 = vector.broadcast %max3A_485 : f32 to vector<16xf32>
        %max3A_487 = arith.maximumf %sub3A_484, %max3A_486 : vector<16xf32>
        %add3A_488 = arith.addf %get3A_483, %gather3A_115 : vector<16xf32>
        %min3A_489 = arith.constant 0.000000e+00 : f32
        %min3A_490 = vector.broadcast %min3A_489 : f32 to vector<16xf32>
        %min3A_491 = arith.minimumf %add3A_488, %min3A_490 : vector<16xf32>
        %add3A_492 = arith.addf %max3A_487, %min3A_491 : vector<16xf32>
        %mul3A_493 = arith.constant 16 : i32
        %mul3A_494 = arith.muli %scan3A_476, %mul3A_493 : i32
        %swap3A_495 = arith.constant 0 : i32
        %swap3A_496 = arith.index_cast %swap3A_495 : i32 to index
        %swap3A_497 = arith.index_cast %mul3A_494 : i32 to index
        %swap3A_498 = tpu.vector_load %arg6[%swap3A_496, %swap3A_497] {strides = array<i32>} : memref<4x8192xf32, #tpu.memory_space<vmem>>, vector<1x16xf32>,
        %swap3A_499 = vector.shape_cast %swap3A_498 : vector<1x16xf32> to vector<16xf32>
        %swap3A_500 = vector.shape_cast %add3A_492 : vector<16xf32> to vector<1x16xf32>
        tpu.vector_store %arg6[%swap3A_496, %swap3A_497], %swap3A_500 {strides = array<i32>} : memref<4x8192xf32, #tpu.memory_space<vmem>>, vector<1x16xf32>,
      }
      %scan3A_121 = arith.constant 512 : i32
      %mul3A_122 = arith.constant 4 : i32
      %mul3A_123 = arith.muli %scan3A_71, %mul3A_122 : i32
      %add3A_124 = arith.constant 1 : i32
      %add3A_125 = arith.addi %mul3A_123, %add3A_124 : i32
      %jit3A_126 = arith.constant 16 : i32
      %div3A_127 = arith.divsi %add3A_125, %jit3A_126 : i32
      %sign3A_128 = arith.constant 0 : i32
      %sign3A_129 = arith.cmpi sgt, %add3A_125, %sign3A_128 : i32
      %sign3A_130 = arith.extui %sign3A_129 : i1 to i32
      %sign3A_131 = arith.constant 0 : i32
      %sign3A_132 = arith.cmpi slt, %add3A_125, %sign3A_131 : i32
      %sign3A_133 = arith.extui %sign3A_132 : i1 to i32
      %sign3A_134 = arith.subi %sign3A_130, %sign3A_133 : i32
      %sign3A_135 = arith.constant 0 : i32
      %sign3A_136 = arith.cmpi sgt, %jit3A_126, %sign3A_135 : i32
      %sign3A_137 = arith.extui %sign3A_136 : i1 to i32
      %sign3A_138 = arith.constant 0 : i32
      %sign3A_139 = arith.cmpi slt, %jit3A_126, %sign3A_138 : i32
      %sign3A_140 = arith.extui %sign3A_139 : i1 to i32
      %sign3A_141 = arith.subi %sign3A_137, %sign3A_140 : i32
      %ne3A_142 = arith.cmpi ne, %sign3A_134, %sign3A_141 : i32
      %rem3A_143 = arith.remsi %add3A_125, %jit3A_126 : i32
      %ne3A_144 = arith.constant 0 : i32
      %ne3A_145 = arith.cmpi ne, %rem3A_143, %ne3A_144 : i32
      %and3A_146 = arith.andi %ne3A_142, %ne3A_145 : i1
      %sub3A_147 = arith.constant 1 : i32
      %sub3A_148 = arith.subi %div3A_127, %sub3A_147 : i32
      %select_n3A_149 = arith.select %and3A_146, %sub3A_148, %div3A_127 : i32
      %jit3A_150 = arith.constant 16 : i32
      %eq3A_151 = arith.constant 0 : i32
      %eq3A_152 = arith.cmpi eq, %jit3A_150, %eq3A_151 : i32
      %jit3A_153 = arith.constant 1 : i32
      %select_n3A_154 = arith.select %eq3A_152, %jit3A_153, %jit3A_150 : i32
      %rem3A_155 = arith.remsi %add3A_125, %select_n3A_154 : i32
      %ne3A_156 = arith.constant 0 : i32
      %ne3A_157 = arith.cmpi ne, %rem3A_155, %ne3A_156 : i32
      %lt3A_158 = arith.constant 0 : i32
      %lt3A_159 = arith.cmpi slt, %rem3A_155, %lt3A_158 : i32
      %lt3A_160 = arith.constant 0 : i32
      %lt3A_161 = arith.cmpi slt, %select_n3A_154, %lt3A_160 : i32
      %ne3A_162 = arith.xori %lt3A_159, %lt3A_161 : i1
      %and3A_163 = arith.andi %ne3A_162, %ne3A_157 : i1
      %add3A_164 = arith.addi %rem3A_155, %select_n3A_154 : i32
      %select_n3A_165 = arith.select %and3A_163, %add3A_164, %rem3A_155 : i32
      %mul3A_166 = arith.constant 16 : i32
      %mul3A_167 = arith.muli %select_n3A_149, %mul3A_166 : i32
      %get3A_168 = arith.index_cast %mul3A_167 : i32 to index
      %get3A_169 = tpu.vector_load %arg7[%get3A_168] {strides = array<i32>} : memref<64xf32, #tpu.memory_space<vmem>>, vector<16xf32>,
      %get3A_170 = vector.shape_cast %get3A_169 : vector<16xf32> to vector<16xf32>
      %broadcast_in_dim3A_171 = vector.broadcast %select_n3A_165 : i32 to vector<16x1xi32>
      %gather3A_172 = vector.shape_cast %broadcast_in_dim3A_171 : vector<16x1xi32> to vector<16xi32>
      %gather3A_173 = tpu.dynamic_gather %get3A_170[%gather3A_172] in [0] : vector<16xf32>, vector<16xi32> -> vector<16xf32>
      %scan3A_174 = arith.constant 0 : i32
      %scan3A_175 = arith.constant 0 : i32
      %scan3A_176 = arith.constant 512 : i32
      %scan3A_177 = arith.addi %scan3A_175, %scan3A_176 : i32
      %scan3A_178 = arith.constant 8 : i32
      scf.for %scan3A_296 = %scan3A_175 to %scan3A_177 step %scan3A_178  : i32 {
        %mul3A_297 = arith.constant 16 : i32
        %mul3A_298 = arith.muli %scan3A_296, %mul3A_297 : i32
        %get3A_299 = arith.constant 1 : i32
        %get3A_300 = arith.index_cast %get3A_299 : i32 to index
        %get3A_301 = arith.index_cast %mul3A_298 : i32 to index
        %get3A_302 = tpu.vector_load %arg5[%get3A_300, %get3A_301] {strides = array<i32>} : memref<4x8192xf32, #tpu.memory_space<vmem>>, vector<1x16xf32>,
        %get3A_303 = vector.shape_cast %get3A_302 : vector<1x16xf32> to vector<16xf32>
        %sub3A_304 = arith.subf %get3A_303, %gather3A_173 : vector<16xf32>
        %max3A = arith.constant 0.000000e+00 : f32
        %max3A_305 = vector.broadcast %max3A : f32 to vector<16xf32>
        %max3A_306 = arith.maximumf %sub3A_304, %max3A_305 : vector<16xf32>
        %add3A_307 = arith.addf %get3A_303, %gather3A_173 : vector<16xf32>
        %min3A = arith.constant 0.000000e+00 : f32
        %min3A_308 = vector.broadcast %min3A : f32 to vector<16xf32>
        %min3A_309 = arith.minimumf %add3A_307, %min3A_308 : vector<16xf32>
        %add3A_310 = arith.addf %max3A_306, %min3A_309 : vector<16xf32>
        %mul3A_311 = arith.constant 16 : i32
        %mul3A_312 = arith.muli %scan3A_296, %mul3A_311 : i32
        %swap3A_313 = arith.constant 1 : i32
        %swap3A_314 = arith.index_cast %swap3A_313 : i32 to index
        %swap3A_315 = arith.index_cast %mul3A_312 : i32 to index
        %swap3A_316 = tpu.vector_load %arg6[%swap3A_314, %swap3A_315] {strides = array<i32>} : memref<4x8192xf32, #tpu.memory_space<vmem>>, vector<1x16xf32>,
        %swap3A_317 = vector.shape_cast %swap3A_316 : vector<1x16xf32> to vector<16xf32>
        %swap3A_318 = vector.shape_cast %add3A_310 : vector<16xf32> to vector<1x16xf32>
        tpu.vector_store %arg6[%swap3A_314, %swap3A_315], %swap3A_318 {strides = array<i32>} : memref<4x8192xf32, #tpu.memory_space<vmem>>, vector<1x16xf32>,
        %scan3A_319 = arith.constant 1 : i32
        %scan3A_320 = arith.addi %scan3A_296, %scan3A_319 : i32
        %mul3A_321 = arith.constant 16 : i32
        %mul3A_322 = arith.muli %scan3A_320, %mul3A_321 : i32
        %get3A_323 = arith.constant 1 : i32
        %get3A_324 = arith.index_cast %get3A_323 : i32 to index
        %get3A_325 = arith.index_cast %mul3A_322 : i32 to index
        %get3A_326 = tpu.vector_load %arg5[%get3A_324, %get3A_325] {strides = array<i32>} : memref<4x8192xf32, #tpu.memory_space<vmem>>, vector<1x16xf32>,
        %get3A_327 = vector.shape_cast %get3A_326 : vector<1x16xf32> to vector<16xf32>
        %sub3A_328 = arith.subf %get3A_327, %gather3A_173 : vector<16xf32>
        %max3A_329 = arith.constant 0.000000e+00 : f32
        %max3A_330 = vector.broadcast %max3A_329 : f32 to vector<16xf32>
        %max3A_331 = arith.maximumf %sub3A_328, %max3A_330 : vector<16xf32>
        %add3A_332 = arith.addf %get3A_327, %gather3A_173 : vector<16xf32>
        %min3A_333 = arith.constant 0.000000e+00 : f32
        %min3A_334 = vector.broadcast %min3A_333 : f32 to vector<16xf32>
        %min3A_335 = arith.minimumf %add3A_332, %min3A_334 : vector<16xf32>
        %add3A_336 = arith.addf %max3A_331, %min3A_335 : vector<16xf32>
        %mul3A_337 = arith.constant 16 : i32
        %mul3A_338 = arith.muli %scan3A_320, %mul3A_337 : i32
        %swap3A_339 = arith.constant 1 : i32
        %swap3A_340 = arith.index_cast %swap3A_339 : i32 to index
        %swap3A_341 = arith.index_cast %mul3A_338 : i32 to index
        %swap3A_342 = tpu.vector_load %arg6[%swap3A_340, %swap3A_341] {strides = array<i32>} : memref<4x8192xf32, #tpu.memory_space<vmem>>, vector<1x16xf32>,
        %swap3A_343 = vector.shape_cast %swap3A_342 : vector<1x16xf32> to vector<16xf32>
        %swap3A_344 = vector.shape_cast %add3A_336 : vector<16xf32> to vector<1x16xf32>
        tpu.vector_store %arg6[%swap3A_340, %swap3A_341], %swap3A_344 {strides = array<i32>} : memref<4x8192xf32, #tpu.memory_space<vmem>>, vector<1x16xf32>,
        %scan3A_345 = arith.constant 2 : i32
        %scan3A_346 = arith.addi %scan3A_296, %scan3A_345 : i32
        %mul3A_347 = arith.constant 16 : i32
        %mul3A_348 = arith.muli %scan3A_346, %mul3A_347 : i32
        %get3A_349 = arith.constant 1 : i32
        %get3A_350 = arith.index_cast %get3A_349 : i32 to index
        %get3A_351 = arith.index_cast %mul3A_348 : i32 to index
        %get3A_352 = tpu.vector_load %arg5[%get3A_350, %get3A_351] {strides = array<i32>} : memref<4x8192xf32, #tpu.memory_space<vmem>>, vector<1x16xf32>,
        %get3A_353 = vector.shape_cast %get3A_352 : vector<1x16xf32> to vector<16xf32>
        %sub3A_354 = arith.subf %get3A_353, %gather3A_173 : vector<16xf32>
        %max3A_355 = arith.constant 0.000000e+00 : f32
        %max3A_356 = vector.broadcast %max3A_355 : f32 to vector<16xf32>
        %max3A_357 = arith.maximumf %sub3A_354, %max3A_356 : vector<16xf32>
        %add3A_358 = arith.addf %get3A_353, %gather3A_173 : vector<16xf32>
        %min3A_359 = arith.constant 0.000000e+00 : f32
        %min3A_360 = vector.broadcast %min3A_359 : f32 to vector<16xf32>
        %min3A_361 = arith.minimumf %add3A_358, %min3A_360 : vector<16xf32>
        %add3A_362 = arith.addf %max3A_357, %min3A_361 : vector<16xf32>
        %mul3A_363 = arith.constant 16 : i32
        %mul3A_364 = arith.muli %scan3A_346, %mul3A_363 : i32
        %swap3A_365 = arith.constant 1 : i32
        %swap3A_366 = arith.index_cast %swap3A_365 : i32 to index
        %swap3A_367 = arith.index_cast %mul3A_364 : i32 to index
        %swap3A_368 = tpu.vector_load %arg6[%swap3A_366, %swap3A_367] {strides = array<i32>} : memref<4x8192xf32, #tpu.memory_space<vmem>>, vector<1x16xf32>,
        %swap3A_369 = vector.shape_cast %swap3A_368 : vector<1x16xf32> to vector<16xf32>
        %swap3A_370 = vector.shape_cast %add3A_362 : vector<16xf32> to vector<1x16xf32>
        tpu.vector_store %arg6[%swap3A_366, %swap3A_367], %swap3A_370 {strides = array<i32>} : memref<4x8192xf32, #tpu.memory_space<vmem>>, vector<1x16xf32>,
        %scan3A_371 = arith.constant 3 : i32
        %scan3A_372 = arith.addi %scan3A_296, %scan3A_371 : i32
        %mul3A_373 = arith.constant 16 : i32
        %mul3A_374 = arith.muli %scan3A_372, %mul3A_373 : i32
        %get3A_375 = arith.constant 1 : i32
        %get3A_376 = arith.index_cast %get3A_375 : i32 to index
        %get3A_377 = arith.index_cast %mul3A_374 : i32 to index
        %get3A_378 = tpu.vector_load %arg5[%get3A_376, %get3A_377] {strides = array<i32>} : memref<4x8192xf32, #tpu.memory_space<vmem>>, vector<1x16xf32>,
        %get3A_379 = vector.shape_cast %get3A_378 : vector<1x16xf32> to vector<16xf32>
        %sub3A_380 = arith.subf %get3A_379, %gather3A_173 : vector<16xf32>
        %max3A_381 = arith.constant 0.000000e+00 : f32
        %max3A_382 = vector.broadcast %max3A_381 : f32 to vector<16xf32>
        %max3A_383 = arith.maximumf %sub3A_380, %max3A_382 : vector<16xf32>
        %add3A_384 = arith.addf %get3A_379, %gather3A_173 : vector<16xf32>
        %min3A_385 = arith.constant 0.000000e+00 : f32
        %min3A_386 = vector.broadcast %min3A_385 : f32 to vector<16xf32>
        %min3A_387 = arith.minimumf %add3A_384, %min3A_386 : vector<16xf32>
        %add3A_388 = arith.addf %max3A_383, %min3A_387 : vector<16xf32>
        %mul3A_389 = arith.constant 16 : i32
        %mul3A_390 = arith.muli %scan3A_372, %mul3A_389 : i32
        %swap3A_391 = arith.constant 1 : i32
        %swap3A_392 = arith.index_cast %swap3A_391 : i32 to index
        %swap3A_393 = arith.index_cast %mul3A_390 : i32 to index
        %swap3A_394 = tpu.vector_load %arg6[%swap3A_392, %swap3A_393] {strides = array<i32>} : memref<4x8192xf32, #tpu.memory_space<vmem>>, vector<1x16xf32>,
        %swap3A_395 = vector.shape_cast %swap3A_394 : vector<1x16xf32> to vector<16xf32>
        %swap3A_396 = vector.shape_cast %add3A_388 : vector<16xf32> to vector<1x16xf32>
        tpu.vector_store %arg6[%swap3A_392, %swap3A_393], %swap3A_396 {strides = array<i32>} : memref<4x8192xf32, #tpu.memory_space<vmem>>, vector<1x16xf32>,
        %scan3A_397 = arith.constant 4 : i32
        %scan3A_398 = arith.addi %scan3A_296, %scan3A_397 : i32
        %mul3A_399 = arith.constant 16 : i32
        %mul3A_400 = arith.muli %scan3A_398, %mul3A_399 : i32
        %get3A_401 = arith.constant 1 : i32
        %get3A_402 = arith.index_cast %get3A_401 : i32 to index
        %get3A_403 = arith.index_cast %mul3A_400 : i32 to index
        %get3A_404 = tpu.vector_load %arg5[%get3A_402, %get3A_403] {strides = array<i32>} : memref<4x8192xf32, #tpu.memory_space<vmem>>, vector<1x16xf32>,
        %get3A_405 = vector.shape_cast %get3A_404 : vector<1x16xf32> to vector<16xf32>
        %sub3A_406 = arith.subf %get3A_405, %gather3A_173 : vector<16xf32>
        %max3A_407 = arith.constant 0.000000e+00 : f32
        %max3A_408 = vector.broadcast %max3A_407 : f32 to vector<16xf32>
        %max3A_409 = arith.maximumf %sub3A_406, %max3A_408 : vector<16xf32>
        %add3A_410 = arith.addf %get3A_405, %gather3A_173 : vector<16xf32>
        %min3A_411 = arith.constant 0.000000e+00 : f32
        %min3A_412 = vector.broadcast %min3A_411 : f32 to vector<16xf32>
        %min3A_413 = arith.minimumf %add3A_410, %min3A_412 : vector<16xf32>
        %add3A_414 = arith.addf %max3A_409, %min3A_413 : vector<16xf32>
        %mul3A_415 = arith.constant 16 : i32
        %mul3A_416 = arith.muli %scan3A_398, %mul3A_415 : i32
        %swap3A_417 = arith.constant 1 : i32
        %swap3A_418 = arith.index_cast %swap3A_417 : i32 to index
        %swap3A_419 = arith.index_cast %mul3A_416 : i32 to index
        %swap3A_420 = tpu.vector_load %arg6[%swap3A_418, %swap3A_419] {strides = array<i32>} : memref<4x8192xf32, #tpu.memory_space<vmem>>, vector<1x16xf32>,
        %swap3A_421 = vector.shape_cast %swap3A_420 : vector<1x16xf32> to vector<16xf32>
        %swap3A_422 = vector.shape_cast %add3A_414 : vector<16xf32> to vector<1x16xf32>
        tpu.vector_store %arg6[%swap3A_418, %swap3A_419], %swap3A_422 {strides = array<i32>} : memref<4x8192xf32, #tpu.memory_space<vmem>>, vector<1x16xf32>,
        %scan3A_423 = arith.constant 5 : i32
        %scan3A_424 = arith.addi %scan3A_296, %scan3A_423 : i32
        %mul3A_425 = arith.constant 16 : i32
        %mul3A_426 = arith.muli %scan3A_424, %mul3A_425 : i32
        %get3A_427 = arith.constant 1 : i32
        %get3A_428 = arith.index_cast %get3A_427 : i32 to index
        %get3A_429 = arith.index_cast %mul3A_426 : i32 to index
        %get3A_430 = tpu.vector_load %arg5[%get3A_428, %get3A_429] {strides = array<i32>} : memref<4x8192xf32, #tpu.memory_space<vmem>>, vector<1x16xf32>,
        %get3A_431 = vector.shape_cast %get3A_430 : vector<1x16xf32> to vector<16xf32>
        %sub3A_432 = arith.subf %get3A_431, %gather3A_173 : vector<16xf32>
        %max3A_433 = arith.constant 0.000000e+00 : f32
        %max3A_434 = vector.broadcast %max3A_433 : f32 to vector<16xf32>
        %max3A_435 = arith.maximumf %sub3A_432, %max3A_434 : vector<16xf32>
        %add3A_436 = arith.addf %get3A_431, %gather3A_173 : vector<16xf32>
        %min3A_437 = arith.constant 0.000000e+00 : f32
        %min3A_438 = vector.broadcast %min3A_437 : f32 to vector<16xf32>
        %min3A_439 = arith.minimumf %add3A_436, %min3A_438 : vector<16xf32>
        %add3A_440 = arith.addf %max3A_435, %min3A_439 : vector<16xf32>
        %mul3A_441 = arith.constant 16 : i32
        %mul3A_442 = arith.muli %scan3A_424, %mul3A_441 : i32
        %swap3A_443 = arith.constant 1 : i32
        %swap3A_444 = arith.index_cast %swap3A_443 : i32 to index
        %swap3A_445 = arith.index_cast %mul3A_442 : i32 to index
        %swap3A_446 = tpu.vector_load %arg6[%swap3A_444, %swap3A_445] {strides = array<i32>} : memref<4x8192xf32, #tpu.memory_space<vmem>>, vector<1x16xf32>,
        %swap3A_447 = vector.shape_cast %swap3A_446 : vector<1x16xf32> to vector<16xf32>
        %swap3A_448 = vector.shape_cast %add3A_440 : vector<16xf32> to vector<1x16xf32>
        tpu.vector_store %arg6[%swap3A_444, %swap3A_445], %swap3A_448 {strides = array<i32>} : memref<4x8192xf32, #tpu.memory_space<vmem>>, vector<1x16xf32>,
        %scan3A_449 = arith.constant 6 : i32
        %scan3A_450 = arith.addi %scan3A_296, %scan3A_449 : i32
        %mul3A_451 = arith.constant 16 : i32
        %mul3A_452 = arith.muli %scan3A_450, %mul3A_451 : i32
        %get3A_453 = arith.constant 1 : i32
        %get3A_454 = arith.index_cast %get3A_453 : i32 to index
        %get3A_455 = arith.index_cast %mul3A_452 : i32 to index
        %get3A_456 = tpu.vector_load %arg5[%get3A_454, %get3A_455] {strides = array<i32>} : memref<4x8192xf32, #tpu.memory_space<vmem>>, vector<1x16xf32>,
        %get3A_457 = vector.shape_cast %get3A_456 : vector<1x16xf32> to vector<16xf32>
        %sub3A_458 = arith.subf %get3A_457, %gather3A_173 : vector<16xf32>
        %max3A_459 = arith.constant 0.000000e+00 : f32
        %max3A_460 = vector.broadcast %max3A_459 : f32 to vector<16xf32>
        %max3A_461 = arith.maximumf %sub3A_458, %max3A_460 : vector<16xf32>
        %add3A_462 = arith.addf %get3A_457, %gather3A_173 : vector<16xf32>
        %min3A_463 = arith.constant 0.000000e+00 : f32
        %min3A_464 = vector.broadcast %min3A_463 : f32 to vector<16xf32>
        %min3A_465 = arith.minimumf %add3A_462, %min3A_464 : vector<16xf32>
        %add3A_466 = arith.addf %max3A_461, %min3A_465 : vector<16xf32>
        %mul3A_467 = arith.constant 16 : i32
        %mul3A_468 = arith.muli %scan3A_450, %mul3A_467 : i32
        %swap3A_469 = arith.constant 1 : i32
        %swap3A_470 = arith.index_cast %swap3A_469 : i32 to index
        %swap3A_471 = arith.index_cast %mul3A_468 : i32 to index
        %swap3A_472 = tpu.vector_load %arg6[%swap3A_470, %swap3A_471] {strides = array<i32>} : memref<4x8192xf32, #tpu.memory_space<vmem>>, vector<1x16xf32>,
        %swap3A_473 = vector.shape_cast %swap3A_472 : vector<1x16xf32> to vector<16xf32>
        %swap3A_474 = vector.shape_cast %add3A_466 : vector<16xf32> to vector<1x16xf32>
        tpu.vector_store %arg6[%swap3A_470, %swap3A_471], %swap3A_474 {strides = array<i32>} : memref<4x8192xf32, #tpu.memory_space<vmem>>, vector<1x16xf32>,
        %scan3A_475 = arith.constant 7 : i32
        %scan3A_476 = arith.addi %scan3A_296, %scan3A_475 : i32
        %mul3A_477 = arith.constant 16 : i32
        %mul3A_478 = arith.muli %scan3A_476, %mul3A_477 : i32
        %get3A_479 = arith.constant 1 : i32
        %get3A_480 = arith.index_cast %get3A_479 : i32 to index
        %get3A_481 = arith.index_cast %mul3A_478 : i32 to index
        %get3A_482 = tpu.vector_load %arg5[%get3A_480, %get3A_481] {strides = array<i32>} : memref<4x8192xf32, #tpu.memory_space<vmem>>, vector<1x16xf32>,
        %get3A_483 = vector.shape_cast %get3A_482 : vector<1x16xf32> to vector<16xf32>
        %sub3A_484 = arith.subf %get3A_483, %gather3A_173 : vector<16xf32>
        %max3A_485 = arith.constant 0.000000e+00 : f32
        %max3A_486 = vector.broadcast %max3A_485 : f32 to vector<16xf32>
        %max3A_487 = arith.maximumf %sub3A_484, %max3A_486 : vector<16xf32>
        %add3A_488 = arith.addf %get3A_483, %gather3A_173 : vector<16xf32>
        %min3A_489 = arith.constant 0.000000e+00 : f32
        %min3A_490 = vector.broadcast %min3A_489 : f32 to vector<16xf32>
        %min3A_491 = arith.minimumf %add3A_488, %min3A_490 : vector<16xf32>
        %add3A_492 = arith.addf %max3A_487, %min3A_491 : vector<16xf32>
        %mul3A_493 = arith.constant 16 : i32
        %mul3A_494 = arith.muli %scan3A_476, %mul3A_493 : i32
        %swap3A_495 = arith.constant 1 : i32
        %swap3A_496 = arith.index_cast %swap3A_495 : i32 to index
        %swap3A_497 = arith.index_cast %mul3A_494 : i32 to index
        %swap3A_498 = tpu.vector_load %arg6[%swap3A_496, %swap3A_497] {strides = array<i32>} : memref<4x8192xf32, #tpu.memory_space<vmem>>, vector<1x16xf32>,
        %swap3A_499 = vector.shape_cast %swap3A_498 : vector<1x16xf32> to vector<16xf32>
        %swap3A_500 = vector.shape_cast %add3A_492 : vector<16xf32> to vector<1x16xf32>
        tpu.vector_store %arg6[%swap3A_496, %swap3A_497], %swap3A_500 {strides = array<i32>} : memref<4x8192xf32, #tpu.memory_space<vmem>>, vector<1x16xf32>,
      }
      %scan3A_179 = arith.constant 512 : i32
      %mul3A_180 = arith.constant 4 : i32
      %mul3A_181 = arith.muli %scan3A_71, %mul3A_180 : i32
      %add3A_182 = arith.constant 2 : i32
      %add3A_183 = arith.addi %mul3A_181, %add3A_182 : i32
      %jit3A_184 = arith.constant 16 : i32
      %div3A_185 = arith.divsi %add3A_183, %jit3A_184 : i32
      %sign3A_186 = arith.constant 0 : i32
      %sign3A_187 = arith.cmpi sgt, %add3A_183, %sign3A_186 : i32
      %sign3A_188 = arith.extui %sign3A_187 : i1 to i32
      %sign3A_189 = arith.constant 0 : i32
      %sign3A_190 = arith.cmpi slt, %add3A_183, %sign3A_189 : i32
      %sign3A_191 = arith.extui %sign3A_190 : i1 to i32
      %sign3A_192 = arith.subi %sign3A_188, %sign3A_191 : i32
      %sign3A_193 = arith.constant 0 : i32
      %sign3A_194 = arith.cmpi sgt, %jit3A_184, %sign3A_193 : i32
      %sign3A_195 = arith.extui %sign3A_194 : i1 to i32
      %sign3A_196 = arith.constant 0 : i32
      %sign3A_197 = arith.cmpi slt, %jit3A_184, %sign3A_196 : i32
      %sign3A_198 = arith.extui %sign3A_197 : i1 to i32
      %sign3A_199 = arith.subi %sign3A_195, %sign3A_198 : i32
      %ne3A_200 = arith.cmpi ne, %sign3A_192, %sign3A_199 : i32
      %rem3A_201 = arith.remsi %add3A_183, %jit3A_184 : i32
      %ne3A_202 = arith.constant 0 : i32
      %ne3A_203 = arith.cmpi ne, %rem3A_201, %ne3A_202 : i32
      %and3A_204 = arith.andi %ne3A_200, %ne3A_203 : i1
      %sub3A_205 = arith.constant 1 : i32
      %sub3A_206 = arith.subi %div3A_185, %sub3A_205 : i32
      %select_n3A_207 = arith.select %and3A_204, %sub3A_206, %div3A_185 : i32
      %jit3A_208 = arith.constant 16 : i32
      %eq3A_209 = arith.constant 0 : i32
      %eq3A_210 = arith.cmpi eq, %jit3A_208, %eq3A_209 : i32
      %jit3A_211 = arith.constant 1 : i32
      %select_n3A_212 = arith.select %eq3A_210, %jit3A_211, %jit3A_208 : i32
      %rem3A_213 = arith.remsi %add3A_183, %select_n3A_212 : i32
      %ne3A_214 = arith.constant 0 : i32
      %ne3A_215 = arith.cmpi ne, %rem3A_213, %ne3A_214 : i32
      %lt3A_216 = arith.constant 0 : i32
      %lt3A_217 = arith.cmpi slt, %rem3A_213, %lt3A_216 : i32
      %lt3A_218 = arith.constant 0 : i32
      %lt3A_219 = arith.cmpi slt, %select_n3A_212, %lt3A_218 : i32
      %ne3A_220 = arith.xori %lt3A_217, %lt3A_219 : i1
      %and3A_221 = arith.andi %ne3A_220, %ne3A_215 : i1
      %add3A_222 = arith.addi %rem3A_213, %select_n3A_212 : i32
      %select_n3A_223 = arith.select %and3A_221, %add3A_222, %rem3A_213 : i32
      %mul3A_224 = arith.constant 16 : i32
      %mul3A_225 = arith.muli %select_n3A_207, %mul3A_224 : i32
      %get3A_226 = arith.index_cast %mul3A_225 : i32 to index
      %get3A_227 = tpu.vector_load %arg7[%get3A_226] {strides = array<i32>} : memref<64xf32, #tpu.memory_space<vmem>>, vector<16xf32>,
      %get3A_228 = vector.shape_cast %get3A_227 : vector<16xf32> to vector<16xf32>
      %broadcast_in_dim3A_229 = vector.broadcast %select_n3A_223 : i32 to vector<16x1xi32>
      %gather3A_230 = vector.shape_cast %broadcast_in_dim3A_229 : vector<16x1xi32> to vector<16xi32>
      %gather3A_231 = tpu.dynamic_gather %get3A_228[%gather3A_230] in [0] : vector<16xf32>, vector<16xi32> -> vector<16xf32>
      %scan3A_232 = arith.constant 0 : i32
      %scan3A_233 = arith.constant 0 : i32
      %scan3A_234 = arith.constant 512 : i32
      %scan3A_235 = arith.addi %scan3A_233, %scan3A_234 : i32
      %scan3A_236 = arith.constant 8 : i32
      scf.for %scan3A_296 = %scan3A_233 to %scan3A_235 step %scan3A_236  : i32 {
        %mul3A_297 = arith.constant 16 : i32
        %mul3A_298 = arith.muli %scan3A_296, %mul3A_297 : i32
        %get3A_299 = arith.constant 2 : i32
        %get3A_300 = arith.index_cast %get3A_299 : i32 to index
        %get3A_301 = arith.index_cast %mul3A_298 : i32 to index
        %get3A_302 = tpu.vector_load %arg5[%get3A_300, %get3A_301] {strides = array<i32>} : memref<4x8192xf32, #tpu.memory_space<vmem>>, vector<1x16xf32>,
        %get3A_303 = vector.shape_cast %get3A_302 : vector<1x16xf32> to vector<16xf32>
        %sub3A_304 = arith.subf %get3A_303, %gather3A_231 : vector<16xf32>
        %max3A = arith.constant 0.000000e+00 : f32
        %max3A_305 = vector.broadcast %max3A : f32 to vector<16xf32>
        %max3A_306 = arith.maximumf %sub3A_304, %max3A_305 : vector<16xf32>
        %add3A_307 = arith.addf %get3A_303, %gather3A_231 : vector<16xf32>
        %min3A = arith.constant 0.000000e+00 : f32
        %min3A_308 = vector.broadcast %min3A : f32 to vector<16xf32>
        %min3A_309 = arith.minimumf %add3A_307, %min3A_308 : vector<16xf32>
        %add3A_310 = arith.addf %max3A_306, %min3A_309 : vector<16xf32>
        %mul3A_311 = arith.constant 16 : i32
        %mul3A_312 = arith.muli %scan3A_296, %mul3A_311 : i32
        %swap3A_313 = arith.constant 2 : i32
        %swap3A_314 = arith.index_cast %swap3A_313 : i32 to index
        %swap3A_315 = arith.index_cast %mul3A_312 : i32 to index
        %swap3A_316 = tpu.vector_load %arg6[%swap3A_314, %swap3A_315] {strides = array<i32>} : memref<4x8192xf32, #tpu.memory_space<vmem>>, vector<1x16xf32>,
        %swap3A_317 = vector.shape_cast %swap3A_316 : vector<1x16xf32> to vector<16xf32>
        %swap3A_318 = vector.shape_cast %add3A_310 : vector<16xf32> to vector<1x16xf32>
        tpu.vector_store %arg6[%swap3A_314, %swap3A_315], %swap3A_318 {strides = array<i32>} : memref<4x8192xf32, #tpu.memory_space<vmem>>, vector<1x16xf32>,
        %scan3A_319 = arith.constant 1 : i32
        %scan3A_320 = arith.addi %scan3A_296, %scan3A_319 : i32
        %mul3A_321 = arith.constant 16 : i32
        %mul3A_322 = arith.muli %scan3A_320, %mul3A_321 : i32
        %get3A_323 = arith.constant 2 : i32
        %get3A_324 = arith.index_cast %get3A_323 : i32 to index
        %get3A_325 = arith.index_cast %mul3A_322 : i32 to index
        %get3A_326 = tpu.vector_load %arg5[%get3A_324, %get3A_325] {strides = array<i32>} : memref<4x8192xf32, #tpu.memory_space<vmem>>, vector<1x16xf32>,
        %get3A_327 = vector.shape_cast %get3A_326 : vector<1x16xf32> to vector<16xf32>
        %sub3A_328 = arith.subf %get3A_327, %gather3A_231 : vector<16xf32>
        %max3A_329 = arith.constant 0.000000e+00 : f32
        %max3A_330 = vector.broadcast %max3A_329 : f32 to vector<16xf32>
        %max3A_331 = arith.maximumf %sub3A_328, %max3A_330 : vector<16xf32>
        %add3A_332 = arith.addf %get3A_327, %gather3A_231 : vector<16xf32>
        %min3A_333 = arith.constant 0.000000e+00 : f32
        %min3A_334 = vector.broadcast %min3A_333 : f32 to vector<16xf32>
        %min3A_335 = arith.minimumf %add3A_332, %min3A_334 : vector<16xf32>
        %add3A_336 = arith.addf %max3A_331, %min3A_335 : vector<16xf32>
        %mul3A_337 = arith.constant 16 : i32
        %mul3A_338 = arith.muli %scan3A_320, %mul3A_337 : i32
        %swap3A_339 = arith.constant 2 : i32
        %swap3A_340 = arith.index_cast %swap3A_339 : i32 to index
        %swap3A_341 = arith.index_cast %mul3A_338 : i32 to index
        %swap3A_342 = tpu.vector_load %arg6[%swap3A_340, %swap3A_341] {strides = array<i32>} : memref<4x8192xf32, #tpu.memory_space<vmem>>, vector<1x16xf32>,
        %swap3A_343 = vector.shape_cast %swap3A_342 : vector<1x16xf32> to vector<16xf32>
        %swap3A_344 = vector.shape_cast %add3A_336 : vector<16xf32> to vector<1x16xf32>
        tpu.vector_store %arg6[%swap3A_340, %swap3A_341], %swap3A_344 {strides = array<i32>} : memref<4x8192xf32, #tpu.memory_space<vmem>>, vector<1x16xf32>,
        %scan3A_345 = arith.constant 2 : i32
        %scan3A_346 = arith.addi %scan3A_296, %scan3A_345 : i32
        %mul3A_347 = arith.constant 16 : i32
        %mul3A_348 = arith.muli %scan3A_346, %mul3A_347 : i32
        %get3A_349 = arith.constant 2 : i32
        %get3A_350 = arith.index_cast %get3A_349 : i32 to index
        %get3A_351 = arith.index_cast %mul3A_348 : i32 to index
        %get3A_352 = tpu.vector_load %arg5[%get3A_350, %get3A_351] {strides = array<i32>} : memref<4x8192xf32, #tpu.memory_space<vmem>>, vector<1x16xf32>,
        %get3A_353 = vector.shape_cast %get3A_352 : vector<1x16xf32> to vector<16xf32>
        %sub3A_354 = arith.subf %get3A_353, %gather3A_231 : vector<16xf32>
        %max3A_355 = arith.constant 0.000000e+00 : f32
        %max3A_356 = vector.broadcast %max3A_355 : f32 to vector<16xf32>
        %max3A_357 = arith.maximumf %sub3A_354, %max3A_356 : vector<16xf32>
        %add3A_358 = arith.addf %get3A_353, %gather3A_231 : vector<16xf32>
        %min3A_359 = arith.constant 0.000000e+00 : f32
        %min3A_360 = vector.broadcast %min3A_359 : f32 to vector<16xf32>
        %min3A_361 = arith.minimumf %add3A_358, %min3A_360 : vector<16xf32>
        %add3A_362 = arith.addf %max3A_357, %min3A_361 : vector<16xf32>
        %mul3A_363 = arith.constant 16 : i32
        %mul3A_364 = arith.muli %scan3A_346, %mul3A_363 : i32
        %swap3A_365 = arith.constant 2 : i32
        %swap3A_366 = arith.index_cast %swap3A_365 : i32 to index
        %swap3A_367 = arith.index_cast %mul3A_364 : i32 to index
        %swap3A_368 = tpu.vector_load %arg6[%swap3A_366, %swap3A_367] {strides = array<i32>} : memref<4x8192xf32, #tpu.memory_space<vmem>>, vector<1x16xf32>,
        %swap3A_369 = vector.shape_cast %swap3A_368 : vector<1x16xf32> to vector<16xf32>
        %swap3A_370 = vector.shape_cast %add3A_362 : vector<16xf32> to vector<1x16xf32>
        tpu.vector_store %arg6[%swap3A_366, %swap3A_367], %swap3A_370 {strides = array<i32>} : memref<4x8192xf32, #tpu.memory_space<vmem>>, vector<1x16xf32>,
        %scan3A_371 = arith.constant 3 : i32
        %scan3A_372 = arith.addi %scan3A_296, %scan3A_371 : i32
        %mul3A_373 = arith.constant 16 : i32
        %mul3A_374 = arith.muli %scan3A_372, %mul3A_373 : i32
        %get3A_375 = arith.constant 2 : i32
        %get3A_376 = arith.index_cast %get3A_375 : i32 to index
        %get3A_377 = arith.index_cast %mul3A_374 : i32 to index
        %get3A_378 = tpu.vector_load %arg5[%get3A_376, %get3A_377] {strides = array<i32>} : memref<4x8192xf32, #tpu.memory_space<vmem>>, vector<1x16xf32>,
        %get3A_379 = vector.shape_cast %get3A_378 : vector<1x16xf32> to vector<16xf32>
        %sub3A_380 = arith.subf %get3A_379, %gather3A_231 : vector<16xf32>
        %max3A_381 = arith.constant 0.000000e+00 : f32
        %max3A_382 = vector.broadcast %max3A_381 : f32 to vector<16xf32>
        %max3A_383 = arith.maximumf %sub3A_380, %max3A_382 : vector<16xf32>
        %add3A_384 = arith.addf %get3A_379, %gather3A_231 : vector<16xf32>
        %min3A_385 = arith.constant 0.000000e+00 : f32
        %min3A_386 = vector.broadcast %min3A_385 : f32 to vector<16xf32>
        %min3A_387 = arith.minimumf %add3A_384, %min3A_386 : vector<16xf32>
        %add3A_388 = arith.addf %max3A_383, %min3A_387 : vector<16xf32>
        %mul3A_389 = arith.constant 16 : i32
        %mul3A_390 = arith.muli %scan3A_372, %mul3A_389 : i32
        %swap3A_391 = arith.constant 2 : i32
        %swap3A_392 = arith.index_cast %swap3A_391 : i32 to index
        %swap3A_393 = arith.index_cast %mul3A_390 : i32 to index
        %swap3A_394 = tpu.vector_load %arg6[%swap3A_392, %swap3A_393] {strides = array<i32>} : memref<4x8192xf32, #tpu.memory_space<vmem>>, vector<1x16xf32>,
        %swap3A_395 = vector.shape_cast %swap3A_394 : vector<1x16xf32> to vector<16xf32>
        %swap3A_396 = vector.shape_cast %add3A_388 : vector<16xf32> to vector<1x16xf32>
        tpu.vector_store %arg6[%swap3A_392, %swap3A_393], %swap3A_396 {strides = array<i32>} : memref<4x8192xf32, #tpu.memory_space<vmem>>, vector<1x16xf32>,
        %scan3A_397 = arith.constant 4 : i32
        %scan3A_398 = arith.addi %scan3A_296, %scan3A_397 : i32
        %mul3A_399 = arith.constant 16 : i32
        %mul3A_400 = arith.muli %scan3A_398, %mul3A_399 : i32
        %get3A_401 = arith.constant 2 : i32
        %get3A_402 = arith.index_cast %get3A_401 : i32 to index
        %get3A_403 = arith.index_cast %mul3A_400 : i32 to index
        %get3A_404 = tpu.vector_load %arg5[%get3A_402, %get3A_403] {strides = array<i32>} : memref<4x8192xf32, #tpu.memory_space<vmem>>, vector<1x16xf32>,
        %get3A_405 = vector.shape_cast %get3A_404 : vector<1x16xf32> to vector<16xf32>
        %sub3A_406 = arith.subf %get3A_405, %gather3A_231 : vector<16xf32>
        %max3A_407 = arith.constant 0.000000e+00 : f32
        %max3A_408 = vector.broadcast %max3A_407 : f32 to vector<16xf32>
        %max3A_409 = arith.maximumf %sub3A_406, %max3A_408 : vector<16xf32>
        %add3A_410 = arith.addf %get3A_405, %gather3A_231 : vector<16xf32>
        %min3A_411 = arith.constant 0.000000e+00 : f32
        %min3A_412 = vector.broadcast %min3A_411 : f32 to vector<16xf32>
        %min3A_413 = arith.minimumf %add3A_410, %min3A_412 : vector<16xf32>
        %add3A_414 = arith.addf %max3A_409, %min3A_413 : vector<16xf32>
        %mul3A_415 = arith.constant 16 : i32
        %mul3A_416 = arith.muli %scan3A_398, %mul3A_415 : i32
        %swap3A_417 = arith.constant 2 : i32
        %swap3A_418 = arith.index_cast %swap3A_417 : i32 to index
        %swap3A_419 = arith.index_cast %mul3A_416 : i32 to index
        %swap3A_420 = tpu.vector_load %arg6[%swap3A_418, %swap3A_419] {strides = array<i32>} : memref<4x8192xf32, #tpu.memory_space<vmem>>, vector<1x16xf32>,
        %swap3A_421 = vector.shape_cast %swap3A_420 : vector<1x16xf32> to vector<16xf32>
        %swap3A_422 = vector.shape_cast %add3A_414 : vector<16xf32> to vector<1x16xf32>
        tpu.vector_store %arg6[%swap3A_418, %swap3A_419], %swap3A_422 {strides = array<i32>} : memref<4x8192xf32, #tpu.memory_space<vmem>>, vector<1x16xf32>,
        %scan3A_423 = arith.constant 5 : i32
        %scan3A_424 = arith.addi %scan3A_296, %scan3A_423 : i32
        %mul3A_425 = arith.constant 16 : i32
        %mul3A_426 = arith.muli %scan3A_424, %mul3A_425 : i32
        %get3A_427 = arith.constant 2 : i32
        %get3A_428 = arith.index_cast %get3A_427 : i32 to index
        %get3A_429 = arith.index_cast %mul3A_426 : i32 to index
        %get3A_430 = tpu.vector_load %arg5[%get3A_428, %get3A_429] {strides = array<i32>} : memref<4x8192xf32, #tpu.memory_space<vmem>>, vector<1x16xf32>,
        %get3A_431 = vector.shape_cast %get3A_430 : vector<1x16xf32> to vector<16xf32>
        %sub3A_432 = arith.subf %get3A_431, %gather3A_231 : vector<16xf32>
        %max3A_433 = arith.constant 0.000000e+00 : f32
        %max3A_434 = vector.broadcast %max3A_433 : f32 to vector<16xf32>
        %max3A_435 = arith.maximumf %sub3A_432, %max3A_434 : vector<16xf32>
        %add3A_436 = arith.addf %get3A_431, %gather3A_231 : vector<16xf32>
        %min3A_437 = arith.constant 0.000000e+00 : f32
        %min3A_438 = vector.broadcast %min3A_437 : f32 to vector<16xf32>
        %min3A_439 = arith.minimumf %add3A_436, %min3A_438 : vector<16xf32>
        %add3A_440 = arith.addf %max3A_435, %min3A_439 : vector<16xf32>
        %mul3A_441 = arith.constant 16 : i32
        %mul3A_442 = arith.muli %scan3A_424, %mul3A_441 : i32
        %swap3A_443 = arith.constant 2 : i32
        %swap3A_444 = arith.index_cast %swap3A_443 : i32 to index
        %swap3A_445 = arith.index_cast %mul3A_442 : i32 to index
        %swap3A_446 = tpu.vector_load %arg6[%swap3A_444, %swap3A_445] {strides = array<i32>} : memref<4x8192xf32, #tpu.memory_space<vmem>>, vector<1x16xf32>,
        %swap3A_447 = vector.shape_cast %swap3A_446 : vector<1x16xf32> to vector<16xf32>
        %swap3A_448 = vector.shape_cast %add3A_440 : vector<16xf32> to vector<1x16xf32>
        tpu.vector_store %arg6[%swap3A_444, %swap3A_445], %swap3A_448 {strides = array<i32>} : memref<4x8192xf32, #tpu.memory_space<vmem>>, vector<1x16xf32>,
        %scan3A_449 = arith.constant 6 : i32
        %scan3A_450 = arith.addi %scan3A_296, %scan3A_449 : i32
        %mul3A_451 = arith.constant 16 : i32
        %mul3A_452 = arith.muli %scan3A_450, %mul3A_451 : i32
        %get3A_453 = arith.constant 2 : i32
        %get3A_454 = arith.index_cast %get3A_453 : i32 to index
        %get3A_455 = arith.index_cast %mul3A_452 : i32 to index
        %get3A_456 = tpu.vector_load %arg5[%get3A_454, %get3A_455] {strides = array<i32>} : memref<4x8192xf32, #tpu.memory_space<vmem>>, vector<1x16xf32>,
        %get3A_457 = vector.shape_cast %get3A_456 : vector<1x16xf32> to vector<16xf32>
        %sub3A_458 = arith.subf %get3A_457, %gather3A_231 : vector<16xf32>
        %max3A_459 = arith.constant 0.000000e+00 : f32
        %max3A_460 = vector.broadcast %max3A_459 : f32 to vector<16xf32>
        %max3A_461 = arith.maximumf %sub3A_458, %max3A_460 : vector<16xf32>
        %add3A_462 = arith.addf %get3A_457, %gather3A_231 : vector<16xf32>
        %min3A_463 = arith.constant 0.000000e+00 : f32
        %min3A_464 = vector.broadcast %min3A_463 : f32 to vector<16xf32>
        %min3A_465 = arith.minimumf %add3A_462, %min3A_464 : vector<16xf32>
        %add3A_466 = arith.addf %max3A_461, %min3A_465 : vector<16xf32>
        %mul3A_467 = arith.constant 16 : i32
        %mul3A_468 = arith.muli %scan3A_450, %mul3A_467 : i32
        %swap3A_469 = arith.constant 2 : i32
        %swap3A_470 = arith.index_cast %swap3A_469 : i32 to index
        %swap3A_471 = arith.index_cast %mul3A_468 : i32 to index
        %swap3A_472 = tpu.vector_load %arg6[%swap3A_470, %swap3A_471] {strides = array<i32>} : memref<4x8192xf32, #tpu.memory_space<vmem>>, vector<1x16xf32>,
        %swap3A_473 = vector.shape_cast %swap3A_472 : vector<1x16xf32> to vector<16xf32>
        %swap3A_474 = vector.shape_cast %add3A_466 : vector<16xf32> to vector<1x16xf32>
        tpu.vector_store %arg6[%swap3A_470, %swap3A_471], %swap3A_474 {strides = array<i32>} : memref<4x8192xf32, #tpu.memory_space<vmem>>, vector<1x16xf32>,
        %scan3A_475 = arith.constant 7 : i32
        %scan3A_476 = arith.addi %scan3A_296, %scan3A_475 : i32
        %mul3A_477 = arith.constant 16 : i32
        %mul3A_478 = arith.muli %scan3A_476, %mul3A_477 : i32
        %get3A_479 = arith.constant 2 : i32
        %get3A_480 = arith.index_cast %get3A_479 : i32 to index
        %get3A_481 = arith.index_cast %mul3A_478 : i32 to index
        %get3A_482 = tpu.vector_load %arg5[%get3A_480, %get3A_481] {strides = array<i32>} : memref<4x8192xf32, #tpu.memory_space<vmem>>, vector<1x16xf32>,
        %get3A_483 = vector.shape_cast %get3A_482 : vector<1x16xf32> to vector<16xf32>
        %sub3A_484 = arith.subf %get3A_483, %gather3A_231 : vector<16xf32>
        %max3A_485 = arith.constant 0.000000e+00 : f32
        %max3A_486 = vector.broadcast %max3A_485 : f32 to vector<16xf32>
        %max3A_487 = arith.maximumf %sub3A_484, %max3A_486 : vector<16xf32>
        %add3A_488 = arith.addf %get3A_483, %gather3A_231 : vector<16xf32>
        %min3A_489 = arith.constant 0.000000e+00 : f32
        %min3A_490 = vector.broadcast %min3A_489 : f32 to vector<16xf32>
        %min3A_491 = arith.minimumf %add3A_488, %min3A_490 : vector<16xf32>
        %add3A_492 = arith.addf %max3A_487, %min3A_491 : vector<16xf32>
        %mul3A_493 = arith.constant 16 : i32
        %mul3A_494 = arith.muli %scan3A_476, %mul3A_493 : i32
        %swap3A_495 = arith.constant 2 : i32
        %swap3A_496 = arith.index_cast %swap3A_495 : i32 to index
        %swap3A_497 = arith.index_cast %mul3A_494 : i32 to index
        %swap3A_498 = tpu.vector_load %arg6[%swap3A_496, %swap3A_497] {strides = array<i32>} : memref<4x8192xf32, #tpu.memory_space<vmem>>, vector<1x16xf32>,
        %swap3A_499 = vector.shape_cast %swap3A_498 : vector<1x16xf32> to vector<16xf32>
        %swap3A_500 = vector.shape_cast %add3A_492 : vector<16xf32> to vector<1x16xf32>
        tpu.vector_store %arg6[%swap3A_496, %swap3A_497], %swap3A_500 {strides = array<i32>} : memref<4x8192xf32, #tpu.memory_space<vmem>>, vector<1x16xf32>,
      }
      %scan3A_237 = arith.constant 512 : i32
      %mul3A_238 = arith.constant 4 : i32
      %mul3A_239 = arith.muli %scan3A_71, %mul3A_238 : i32
      %add3A_240 = arith.constant 3 : i32
      %add3A_241 = arith.addi %mul3A_239, %add3A_240 : i32
      %jit3A_242 = arith.constant 16 : i32
      %div3A_243 = arith.divsi %add3A_241, %jit3A_242 : i32
      %sign3A_244 = arith.constant 0 : i32
      %sign3A_245 = arith.cmpi sgt, %add3A_241, %sign3A_244 : i32
      %sign3A_246 = arith.extui %sign3A_245 : i1 to i32
      %sign3A_247 = arith.constant 0 : i32
      %sign3A_248 = arith.cmpi slt, %add3A_241, %sign3A_247 : i32
      %sign3A_249 = arith.extui %sign3A_248 : i1 to i32
      %sign3A_250 = arith.subi %sign3A_246, %sign3A_249 : i32
      %sign3A_251 = arith.constant 0 : i32
      %sign3A_252 = arith.cmpi sgt, %jit3A_242, %sign3A_251 : i32
      %sign3A_253 = arith.extui %sign3A_252 : i1 to i32
      %sign3A_254 = arith.constant 0 : i32
      %sign3A_255 = arith.cmpi slt, %jit3A_242, %sign3A_254 : i32
      %sign3A_256 = arith.extui %sign3A_255 : i1 to i32
      %sign3A_257 = arith.subi %sign3A_253, %sign3A_256 : i32
      %ne3A_258 = arith.cmpi ne, %sign3A_250, %sign3A_257 : i32
      %rem3A_259 = arith.remsi %add3A_241, %jit3A_242 : i32
      %ne3A_260 = arith.constant 0 : i32
      %ne3A_261 = arith.cmpi ne, %rem3A_259, %ne3A_260 : i32
      %and3A_262 = arith.andi %ne3A_258, %ne3A_261 : i1
      %sub3A_263 = arith.constant 1 : i32
      %sub3A_264 = arith.subi %div3A_243, %sub3A_263 : i32
      %select_n3A_265 = arith.select %and3A_262, %sub3A_264, %div3A_243 : i32
      %jit3A_266 = arith.constant 16 : i32
      %eq3A_267 = arith.constant 0 : i32
      %eq3A_268 = arith.cmpi eq, %jit3A_266, %eq3A_267 : i32
      %jit3A_269 = arith.constant 1 : i32
      %select_n3A_270 = arith.select %eq3A_268, %jit3A_269, %jit3A_266 : i32
      %rem3A_271 = arith.remsi %add3A_241, %select_n3A_270 : i32
      %ne3A_272 = arith.constant 0 : i32
      %ne3A_273 = arith.cmpi ne, %rem3A_271, %ne3A_272 : i32
      %lt3A_274 = arith.constant 0 : i32
      %lt3A_275 = arith.cmpi slt, %rem3A_271, %lt3A_274 : i32
      %lt3A_276 = arith.constant 0 : i32
      %lt3A_277 = arith.cmpi slt, %select_n3A_270, %lt3A_276 : i32
      %ne3A_278 = arith.xori %lt3A_275, %lt3A_277 : i1
      %and3A_279 = arith.andi %ne3A_278, %ne3A_273 : i1
      %add3A_280 = arith.addi %rem3A_271, %select_n3A_270 : i32
      %select_n3A_281 = arith.select %and3A_279, %add3A_280, %rem3A_271 : i32
      %mul3A_282 = arith.constant 16 : i32
      %mul3A_283 = arith.muli %select_n3A_265, %mul3A_282 : i32
      %get3A_284 = arith.index_cast %mul3A_283 : i32 to index
      %get3A_285 = tpu.vector_load %arg7[%get3A_284] {strides = array<i32>} : memref<64xf32, #tpu.memory_space<vmem>>, vector<16xf32>,
      %get3A_286 = vector.shape_cast %get3A_285 : vector<16xf32> to vector<16xf32>
      %broadcast_in_dim3A_287 = vector.broadcast %select_n3A_281 : i32 to vector<16x1xi32>
      %gather3A_288 = vector.shape_cast %broadcast_in_dim3A_287 : vector<16x1xi32> to vector<16xi32>
      %gather3A_289 = tpu.dynamic_gather %get3A_286[%gather3A_288] in [0] : vector<16xf32>, vector<16xi32> -> vector<16xf32>
      %scan3A_290 = arith.constant 0 : i32
      %scan3A_291 = arith.constant 0 : i32
      %scan3A_292 = arith.constant 512 : i32
      %scan3A_293 = arith.addi %scan3A_291, %scan3A_292 : i32
      %scan3A_294 = arith.constant 8 : i32
      scf.for %scan3A_296 = %scan3A_291 to %scan3A_293 step %scan3A_294  : i32 {
        %mul3A_297 = arith.constant 16 : i32
        %mul3A_298 = arith.muli %scan3A_296, %mul3A_297 : i32
        %get3A_299 = arith.constant 3 : i32
        %get3A_300 = arith.index_cast %get3A_299 : i32 to index
        %get3A_301 = arith.index_cast %mul3A_298 : i32 to index
        %get3A_302 = tpu.vector_load %arg5[%get3A_300, %get3A_301] {strides = array<i32>} : memref<4x8192xf32, #tpu.memory_space<vmem>>, vector<1x16xf32>,
        %get3A_303 = vector.shape_cast %get3A_302 : vector<1x16xf32> to vector<16xf32>
        %sub3A_304 = arith.subf %get3A_303, %gather3A_289 : vector<16xf32>
        %max3A = arith.constant 0.000000e+00 : f32
        %max3A_305 = vector.broadcast %max3A : f32 to vector<16xf32>
        %max3A_306 = arith.maximumf %sub3A_304, %max3A_305 : vector<16xf32>
        %add3A_307 = arith.addf %get3A_303, %gather3A_289 : vector<16xf32>
        %min3A = arith.constant 0.000000e+00 : f32
        %min3A_308 = vector.broadcast %min3A : f32 to vector<16xf32>
        %min3A_309 = arith.minimumf %add3A_307, %min3A_308 : vector<16xf32>
        %add3A_310 = arith.addf %max3A_306, %min3A_309 : vector<16xf32>
        %mul3A_311 = arith.constant 16 : i32
        %mul3A_312 = arith.muli %scan3A_296, %mul3A_311 : i32
        %swap3A_313 = arith.constant 3 : i32
        %swap3A_314 = arith.index_cast %swap3A_313 : i32 to index
        %swap3A_315 = arith.index_cast %mul3A_312 : i32 to index
        %swap3A_316 = tpu.vector_load %arg6[%swap3A_314, %swap3A_315] {strides = array<i32>} : memref<4x8192xf32, #tpu.memory_space<vmem>>, vector<1x16xf32>,
        %swap3A_317 = vector.shape_cast %swap3A_316 : vector<1x16xf32> to vector<16xf32>
        %swap3A_318 = vector.shape_cast %add3A_310 : vector<16xf32> to vector<1x16xf32>
        tpu.vector_store %arg6[%swap3A_314, %swap3A_315], %swap3A_318 {strides = array<i32>} : memref<4x8192xf32, #tpu.memory_space<vmem>>, vector<1x16xf32>,
        %scan3A_319 = arith.constant 1 : i32
        %scan3A_320 = arith.addi %scan3A_296, %scan3A_319 : i32
        %mul3A_321 = arith.constant 16 : i32
        %mul3A_322 = arith.muli %scan3A_320, %mul3A_321 : i32
        %get3A_323 = arith.constant 3 : i32
        %get3A_324 = arith.index_cast %get3A_323 : i32 to index
        %get3A_325 = arith.index_cast %mul3A_322 : i32 to index
        %get3A_326 = tpu.vector_load %arg5[%get3A_324, %get3A_325] {strides = array<i32>} : memref<4x8192xf32, #tpu.memory_space<vmem>>, vector<1x16xf32>,
        %get3A_327 = vector.shape_cast %get3A_326 : vector<1x16xf32> to vector<16xf32>
        %sub3A_328 = arith.subf %get3A_327, %gather3A_289 : vector<16xf32>
        %max3A_329 = arith.constant 0.000000e+00 : f32
        %max3A_330 = vector.broadcast %max3A_329 : f32 to vector<16xf32>
        %max3A_331 = arith.maximumf %sub3A_328, %max3A_330 : vector<16xf32>
        %add3A_332 = arith.addf %get3A_327, %gather3A_289 : vector<16xf32>
        %min3A_333 = arith.constant 0.000000e+00 : f32
        %min3A_334 = vector.broadcast %min3A_333 : f32 to vector<16xf32>
        %min3A_335 = arith.minimumf %add3A_332, %min3A_334 : vector<16xf32>
        %add3A_336 = arith.addf %max3A_331, %min3A_335 : vector<16xf32>
        %mul3A_337 = arith.constant 16 : i32
        %mul3A_338 = arith.muli %scan3A_320, %mul3A_337 : i32
        %swap3A_339 = arith.constant 3 : i32
        %swap3A_340 = arith.index_cast %swap3A_339 : i32 to index
        %swap3A_341 = arith.index_cast %mul3A_338 : i32 to index
        %swap3A_342 = tpu.vector_load %arg6[%swap3A_340, %swap3A_341] {strides = array<i32>} : memref<4x8192xf32, #tpu.memory_space<vmem>>, vector<1x16xf32>,
        %swap3A_343 = vector.shape_cast %swap3A_342 : vector<1x16xf32> to vector<16xf32>
        %swap3A_344 = vector.shape_cast %add3A_336 : vector<16xf32> to vector<1x16xf32>
        tpu.vector_store %arg6[%swap3A_340, %swap3A_341], %swap3A_344 {strides = array<i32>} : memref<4x8192xf32, #tpu.memory_space<vmem>>, vector<1x16xf32>,
        %scan3A_345 = arith.constant 2 : i32
        %scan3A_346 = arith.addi %scan3A_296, %scan3A_345 : i32
        %mul3A_347 = arith.constant 16 : i32
        %mul3A_348 = arith.muli %scan3A_346, %mul3A_347 : i32
        %get3A_349 = arith.constant 3 : i32
        %get3A_350 = arith.index_cast %get3A_349 : i32 to index
        %get3A_351 = arith.index_cast %mul3A_348 : i32 to index
        %get3A_352 = tpu.vector_load %arg5[%get3A_350, %get3A_351] {strides = array<i32>} : memref<4x8192xf32, #tpu.memory_space<vmem>>, vector<1x16xf32>,
        %get3A_353 = vector.shape_cast %get3A_352 : vector<1x16xf32> to vector<16xf32>
        %sub3A_354 = arith.subf %get3A_353, %gather3A_289 : vector<16xf32>
        %max3A_355 = arith.constant 0.000000e+00 : f32
        %max3A_356 = vector.broadcast %max3A_355 : f32 to vector<16xf32>
        %max3A_357 = arith.maximumf %sub3A_354, %max3A_356 : vector<16xf32>
        %add3A_358 = arith.addf %get3A_353, %gather3A_289 : vector<16xf32>
        %min3A_359 = arith.constant 0.000000e+00 : f32
        %min3A_360 = vector.broadcast %min3A_359 : f32 to vector<16xf32>
        %min3A_361 = arith.minimumf %add3A_358, %min3A_360 : vector<16xf32>
        %add3A_362 = arith.addf %max3A_357, %min3A_361 : vector<16xf32>
        %mul3A_363 = arith.constant 16 : i32
        %mul3A_364 = arith.muli %scan3A_346, %mul3A_363 : i32
        %swap3A_365 = arith.constant 3 : i32
        %swap3A_366 = arith.index_cast %swap3A_365 : i32 to index
        %swap3A_367 = arith.index_cast %mul3A_364 : i32 to index
        %swap3A_368 = tpu.vector_load %arg6[%swap3A_366, %swap3A_367] {strides = array<i32>} : memref<4x8192xf32, #tpu.memory_space<vmem>>, vector<1x16xf32>,
        %swap3A_369 = vector.shape_cast %swap3A_368 : vector<1x16xf32> to vector<16xf32>
        %swap3A_370 = vector.shape_cast %add3A_362 : vector<16xf32> to vector<1x16xf32>
        tpu.vector_store %arg6[%swap3A_366, %swap3A_367], %swap3A_370 {strides = array<i32>} : memref<4x8192xf32, #tpu.memory_space<vmem>>, vector<1x16xf32>,
        %scan3A_371 = arith.constant 3 : i32
        %scan3A_372 = arith.addi %scan3A_296, %scan3A_371 : i32
        %mul3A_373 = arith.constant 16 : i32
        %mul3A_374 = arith.muli %scan3A_372, %mul3A_373 : i32
        %get3A_375 = arith.constant 3 : i32
        %get3A_376 = arith.index_cast %get3A_375 : i32 to index
        %get3A_377 = arith.index_cast %mul3A_374 : i32 to index
        %get3A_378 = tpu.vector_load %arg5[%get3A_376, %get3A_377] {strides = array<i32>} : memref<4x8192xf32, #tpu.memory_space<vmem>>, vector<1x16xf32>,
        %get3A_379 = vector.shape_cast %get3A_378 : vector<1x16xf32> to vector<16xf32>
        %sub3A_380 = arith.subf %get3A_379, %gather3A_289 : vector<16xf32>
        %max3A_381 = arith.constant 0.000000e+00 : f32
        %max3A_382 = vector.broadcast %max3A_381 : f32 to vector<16xf32>
        %max3A_383 = arith.maximumf %sub3A_380, %max3A_382 : vector<16xf32>
        %add3A_384 = arith.addf %get3A_379, %gather3A_289 : vector<16xf32>
        %min3A_385 = arith.constant 0.000000e+00 : f32
        %min3A_386 = vector.broadcast %min3A_385 : f32 to vector<16xf32>
        %min3A_387 = arith.minimumf %add3A_384, %min3A_386 : vector<16xf32>
        %add3A_388 = arith.addf %max3A_383, %min3A_387 : vector<16xf32>
        %mul3A_389 = arith.constant 16 : i32
        %mul3A_390 = arith.muli %scan3A_372, %mul3A_389 : i32
        %swap3A_391 = arith.constant 3 : i32
        %swap3A_392 = arith.index_cast %swap3A_391 : i32 to index
        %swap3A_393 = arith.index_cast %mul3A_390 : i32 to index
        %swap3A_394 = tpu.vector_load %arg6[%swap3A_392, %swap3A_393] {strides = array<i32>} : memref<4x8192xf32, #tpu.memory_space<vmem>>, vector<1x16xf32>,
        %swap3A_395 = vector.shape_cast %swap3A_394 : vector<1x16xf32> to vector<16xf32>
        %swap3A_396 = vector.shape_cast %add3A_388 : vector<16xf32> to vector<1x16xf32>
        tpu.vector_store %arg6[%swap3A_392, %swap3A_393], %swap3A_396 {strides = array<i32>} : memref<4x8192xf32, #tpu.memory_space<vmem>>, vector<1x16xf32>,
        %scan3A_397 = arith.constant 4 : i32
        %scan3A_398 = arith.addi %scan3A_296, %scan3A_397 : i32
        %mul3A_399 = arith.constant 16 : i32
        %mul3A_400 = arith.muli %scan3A_398, %mul3A_399 : i32
        %get3A_401 = arith.constant 3 : i32
        %get3A_402 = arith.index_cast %get3A_401 : i32 to index
        %get3A_403 = arith.index_cast %mul3A_400 : i32 to index
        %get3A_404 = tpu.vector_load %arg5[%get3A_402, %get3A_403] {strides = array<i32>} : memref<4x8192xf32, #tpu.memory_space<vmem>>, vector<1x16xf32>,
        %get3A_405 = vector.shape_cast %get3A_404 : vector<1x16xf32> to vector<16xf32>
        %sub3A_406 = arith.subf %get3A_405, %gather3A_289 : vector<16xf32>
        %max3A_407 = arith.constant 0.000000e+00 : f32
        %max3A_408 = vector.broadcast %max3A_407 : f32 to vector<16xf32>
        %max3A_409 = arith.maximumf %sub3A_406, %max3A_408 : vector<16xf32>
        %add3A_410 = arith.addf %get3A_405, %gather3A_289 : vector<16xf32>
        %min3A_411 = arith.constant 0.000000e+00 : f32
        %min3A_412 = vector.broadcast %min3A_411 : f32 to vector<16xf32>
        %min3A_413 = arith.minimumf %add3A_410, %min3A_412 : vector<16xf32>
        %add3A_414 = arith.addf %max3A_409, %min3A_413 : vector<16xf32>
        %mul3A_415 = arith.constant 16 : i32
        %mul3A_416 = arith.muli %scan3A_398, %mul3A_415 : i32
        %swap3A_417 = arith.constant 3 : i32
        %swap3A_418 = arith.index_cast %swap3A_417 : i32 to index
        %swap3A_419 = arith.index_cast %mul3A_416 : i32 to index
        %swap3A_420 = tpu.vector_load %arg6[%swap3A_418, %swap3A_419] {strides = array<i32>} : memref<4x8192xf32, #tpu.memory_space<vmem>>, vector<1x16xf32>,
        %swap3A_421 = vector.shape_cast %swap3A_420 : vector<1x16xf32> to vector<16xf32>
        %swap3A_422 = vector.shape_cast %add3A_414 : vector<16xf32> to vector<1x16xf32>
        tpu.vector_store %arg6[%swap3A_418, %swap3A_419], %swap3A_422 {strides = array<i32>} : memref<4x8192xf32, #tpu.memory_space<vmem>>, vector<1x16xf32>,
        %scan3A_423 = arith.constant 5 : i32
        %scan3A_424 = arith.addi %scan3A_296, %scan3A_423 : i32
        %mul3A_425 = arith.constant 16 : i32
        %mul3A_426 = arith.muli %scan3A_424, %mul3A_425 : i32
        %get3A_427 = arith.constant 3 : i32
        %get3A_428 = arith.index_cast %get3A_427 : i32 to index
        %get3A_429 = arith.index_cast %mul3A_426 : i32 to index
        %get3A_430 = tpu.vector_load %arg5[%get3A_428, %get3A_429] {strides = array<i32>} : memref<4x8192xf32, #tpu.memory_space<vmem>>, vector<1x16xf32>,
        %get3A_431 = vector.shape_cast %get3A_430 : vector<1x16xf32> to vector<16xf32>
        %sub3A_432 = arith.subf %get3A_431, %gather3A_289 : vector<16xf32>
        %max3A_433 = arith.constant 0.000000e+00 : f32
        %max3A_434 = vector.broadcast %max3A_433 : f32 to vector<16xf32>
        %max3A_435 = arith.maximumf %sub3A_432, %max3A_434 : vector<16xf32>
        %add3A_436 = arith.addf %get3A_431, %gather3A_289 : vector<16xf32>
        %min3A_437 = arith.constant 0.000000e+00 : f32
        %min3A_438 = vector.broadcast %min3A_437 : f32 to vector<16xf32>
        %min3A_439 = arith.minimumf %add3A_436, %min3A_438 : vector<16xf32>
        %add3A_440 = arith.addf %max3A_435, %min3A_439 : vector<16xf32>
        %mul3A_441 = arith.constant 16 : i32
        %mul3A_442 = arith.muli %scan3A_424, %mul3A_441 : i32
        %swap3A_443 = arith.constant 3 : i32
        %swap3A_444 = arith.index_cast %swap3A_443 : i32 to index
        %swap3A_445 = arith.index_cast %mul3A_442 : i32 to index
        %swap3A_446 = tpu.vector_load %arg6[%swap3A_444, %swap3A_445] {strides = array<i32>} : memref<4x8192xf32, #tpu.memory_space<vmem>>, vector<1x16xf32>,
        %swap3A_447 = vector.shape_cast %swap3A_446 : vector<1x16xf32> to vector<16xf32>
        %swap3A_448 = vector.shape_cast %add3A_440 : vector<16xf32> to vector<1x16xf32>
        tpu.vector_store %arg6[%swap3A_444, %swap3A_445], %swap3A_448 {strides = array<i32>} : memref<4x8192xf32, #tpu.memory_space<vmem>>, vector<1x16xf32>,
        %scan3A_449 = arith.constant 6 : i32
        %scan3A_450 = arith.addi %scan3A_296, %scan3A_449 : i32
        %mul3A_451 = arith.constant 16 : i32
        %mul3A_452 = arith.muli %scan3A_450, %mul3A_451 : i32
        %get3A_453 = arith.constant 3 : i32
        %get3A_454 = arith.index_cast %get3A_453 : i32 to index
        %get3A_455 = arith.index_cast %mul3A_452 : i32 to index
        %get3A_456 = tpu.vector_load %arg5[%get3A_454, %get3A_455] {strides = array<i32>} : memref<4x8192xf32, #tpu.memory_space<vmem>>, vector<1x16xf32>,
        %get3A_457 = vector.shape_cast %get3A_456 : vector<1x16xf32> to vector<16xf32>
        %sub3A_458 = arith.subf %get3A_457, %gather3A_289 : vector<16xf32>
        %max3A_459 = arith.constant 0.000000e+00 : f32
        %max3A_460 = vector.broadcast %max3A_459 : f32 to vector<16xf32>
        %max3A_461 = arith.maximumf %sub3A_458, %max3A_460 : vector<16xf32>
        %add3A_462 = arith.addf %get3A_457, %gather3A_289 : vector<16xf32>
        %min3A_463 = arith.constant 0.000000e+00 : f32
        %min3A_464 = vector.broadcast %min3A_463 : f32 to vector<16xf32>
        %min3A_465 = arith.minimumf %add3A_462, %min3A_464 : vector<16xf32>
        %add3A_466 = arith.addf %max3A_461, %min3A_465 : vector<16xf32>
        %mul3A_467 = arith.constant 16 : i32
        %mul3A_468 = arith.muli %scan3A_450, %mul3A_467 : i32
        %swap3A_469 = arith.constant 3 : i32
        %swap3A_470 = arith.index_cast %swap3A_469 : i32 to index
        %swap3A_471 = arith.index_cast %mul3A_468 : i32 to index
        %swap3A_472 = tpu.vector_load %arg6[%swap3A_470, %swap3A_471] {strides = array<i32>} : memref<4x8192xf32, #tpu.memory_space<vmem>>, vector<1x16xf32>,
        %swap3A_473 = vector.shape_cast %swap3A_472 : vector<1x16xf32> to vector<16xf32>
        %swap3A_474 = vector.shape_cast %add3A_466 : vector<16xf32> to vector<1x16xf32>
        tpu.vector_store %arg6[%swap3A_470, %swap3A_471], %swap3A_474 {strides = array<i32>} : memref<4x8192xf32, #tpu.memory_space<vmem>>, vector<1x16xf32>,
        %scan3A_475 = arith.constant 7 : i32
        %scan3A_476 = arith.addi %scan3A_296, %scan3A_475 : i32
        %mul3A_477 = arith.constant 16 : i32
        %mul3A_478 = arith.muli %scan3A_476, %mul3A_477 : i32
        %get3A_479 = arith.constant 3 : i32
        %get3A_480 = arith.index_cast %get3A_479 : i32 to index
        %get3A_481 = arith.index_cast %mul3A_478 : i32 to index
        %get3A_482 = tpu.vector_load %arg5[%get3A_480, %get3A_481] {strides = array<i32>} : memref<4x8192xf32, #tpu.memory_space<vmem>>, vector<1x16xf32>,
        %get3A_483 = vector.shape_cast %get3A_482 : vector<1x16xf32> to vector<16xf32>
        %sub3A_484 = arith.subf %get3A_483, %gather3A_289 : vector<16xf32>
        %max3A_485 = arith.constant 0.000000e+00 : f32
        %max3A_486 = vector.broadcast %max3A_485 : f32 to vector<16xf32>
        %max3A_487 = arith.maximumf %sub3A_484, %max3A_486 : vector<16xf32>
        %add3A_488 = arith.addf %get3A_483, %gather3A_289 : vector<16xf32>
        %min3A_489 = arith.constant 0.000000e+00 : f32
        %min3A_490 = vector.broadcast %min3A_489 : f32 to vector<16xf32>
        %min3A_491 = arith.minimumf %add3A_488, %min3A_490 : vector<16xf32>
        %add3A_492 = arith.addf %max3A_487, %min3A_491 : vector<16xf32>
        %mul3A_493 = arith.constant 16 : i32
        %mul3A_494 = arith.muli %scan3A_476, %mul3A_493 : i32
        %swap3A_495 = arith.constant 3 : i32
        %swap3A_496 = arith.index_cast %swap3A_495 : i32 to index
        %swap3A_497 = arith.index_cast %mul3A_494 : i32 to index
        %swap3A_498 = tpu.vector_load %arg6[%swap3A_496, %swap3A_497] {strides = array<i32>} : memref<4x8192xf32, #tpu.memory_space<vmem>>, vector<1x16xf32>,
        %swap3A_499 = vector.shape_cast %swap3A_498 : vector<1x16xf32> to vector<16xf32>
        %swap3A_500 = vector.shape_cast %add3A_492 : vector<16xf32> to vector<1x16xf32>
        tpu.vector_store %arg6[%swap3A_496, %swap3A_497], %swap3A_500 {strides = array<i32>} : memref<4x8192xf32, #tpu.memory_space<vmem>>, vector<1x16xf32>,
      }
      %scan3A_295 = arith.constant 512 : i32
      "tpu.region"() ({
        %run_scoped3A = tpu.sem_alloc : memref<!tpu.dma_semaphore, #tpu.memory_space<semaphore_mem>>
        %dma_start3A = arith.constant 0 : i32
        %dma_start3A_296 = tpu.memref_slice %arg4[%add3A_74, %dma_start3A] : memref<2048x8192xf32, #tpu.memory_space<hbm>> -> memref<4x8192xf32, #tpu.memory_space<hbm>>
        %dma_start3A_297 = arith.constant 0 : i32
        %dma_start3A_298 = tpu.memref_slice %arg4[%add3A_74, %dma_start3A_297] : memref<2048x8192xf32, #tpu.memory_space<hbm>> -> memref<4x8192xf32, #tpu.memory_space<hbm>>
        tpu.enqueue_dma source(%arg6 : memref<4x8192xf32, #tpu.memory_space<vmem>>) target(%dma_start3A_298 : memref<4x8192xf32, #tpu.memory_space<hbm>>) target_semaphore(%run_scoped3A : memref<!tpu.dma_semaphore, #tpu.memory_space<semaphore_mem>>)
        %dma_wait3A = arith.constant 0 : i32
        %dma_wait3A_299 = tpu.memref_slice %arg4[%add3A_74, %dma_wait3A] : memref<2048x8192xf32, #tpu.memory_space<hbm>> -> memref<4x8192xf32, #tpu.memory_space<hbm>>
        %dma_wait3A_300 = arith.constant 0 : i32
        %dma_wait3A_301 = tpu.memref_slice %arg4[%add3A_74, %dma_wait3A_300] : memref<2048x8192xf32, #tpu.memory_space<hbm>> -> memref<4x8192xf32, #tpu.memory_space<hbm>>
        tpu.wait_dma2 semaphore(%run_scoped3A : memref<!tpu.dma_semaphore, #tpu.memory_space<semaphore_mem>>) src(%arg6 : memref<4x8192xf32, #tpu.memory_space<vmem>>) dst(%dma_wait3A_301 : memref<4x8192xf32, #tpu.memory_space<hbm>>)
        tpu.yield
      }) : () -> ()
    }
    %scan3A_70 = arith.constant 16 : i32
    return
  }
}

</mosaic_0001>

<sc_bundles>
// kernel: kernel.3.cloned.1.call-start
scs
__scs_entry_jumppad:
0x0: {  	(pc) =	sbr.rel $0x88, $3  }
0x1: {  	(tag) =	ssettag $0x0;
	lr =	simm.s32 $0x1  }
0x2: {  	[smem:$0x3F9F] =	sst lr;
	_ =	strace $0xD0000000  }
0x3: {  	_ = 	snop  }
0x4: {  	_ = 	snop  }
0x5: {  	_ = 	snop  }
0x6: {  	_ = 	snop  }
0x7: {  	_ = 	snop  }
__scs_overlays_trampoline_lowered:
0x8: {  	[smem:$0x3FAE] =	sst s0  }
0x9: {  	[smem:$0x3FAF] =	sst s1  }
0xa: {  	[smem:$0x3FB0] =	sst s2  }
0xb: {  	[smem:$0x3FB1] =	sst s3  }
0xc: {  	[smem:$0x3FB2] =	sst s4  }
0xd: {  	[smem:$0x3FB3] =	sst s5  }
0xe: {  	[smem:$0x3FB4] =	sst s6  }
0xf: {  	[smem:$0x3FB5] =	sst s7  }
0x10: {  	[smem:$0x3FB6] =	sst s8  }
0x11: {  	[smem:$0x3FB7] =	sst s9;
	s0 =	simm.s32 @!p0 $0x0  }
0x12: {  	s1 =	sld [smem:$0x3F9D];
	s0 =	simm.s32 @p0 $0x1  }
0x13: {  	[smem:$0x3FB8] =	sst s0;
	s0 =	simm.s32 @!p1 $0x0  }
0x14: {  	s2 =	sld [smem:$0x3F9C];
	s0 =	simm.s32 @p1 $0x1  }
0x15: {  	[smem:$0x3FB9] =	sst s0;
	s0 =	simm.s32 @!p2 $0x0  }
0x16: {  	s3 =	sld [smem:$0x3FDB];
	s0 =	simm.s32 @p2 $0x1  }
0x17: {  	s4 =	simm.s32 $0x1BF5;
	[smem:$0x3FBB] =	sst s0  }
0x18: {  	s0 =	sld [smem:$0x3F9E];
	_ =	swait.ge [sflag:s4], $0x0  }
0x19: {  	s7 =	sld [smem:$0x3F9F]  }
0x1a: {  	s8 =	sadd.s32 $0xFFFFE003, lr  }
0x1b: {  	s9 =	sadd.s32 $0xFFFFFEF7, lr;
	s5 =	simm.s32 $0xFFFFFFFF;
	p2 =	slt.u32 s8, $0xFFFFF086  }
0x1c: {  	p1 =	slt.u32 s9, $0xF7A;
	s5 =	simm.s32 @!p2 $0x0  }
0x1d: {  	s5 =	simm.s32 @p1 $0x1;
	p0 =	seq.s32 s7, s2  }
0x1e: {  	s7 =	smul.u32 @!p0 $0xF7A, s2;
	p2 =	seq.s32 @!p0 s5, $0x0  }
0x1f: {  	s9 =	smul.u32 $0xF7A, s1;
	s8 =	simm.s32 @!p0 $0x1BF5;
	p2 =	por !p2, p0  }
0x20: {  	[sflag:s8] =	ssyncset.s32 @!p0 $0xFFFFF086;
	s6 =	sadd.s32 @!p0 s3, s7;
	s7 =	simm.s32 @!p0 $0x108  }
0x21: {  	s3 =	sadd.s32 s3, s9;
	s6 =	sadd.s32 @!p0 $0x88, s6;
	s7 =	simm.s32 @p2 $0x1082  }
0x22: {  	[simem:s7], [sflag:s8] =	dma.local @!p0 [hbm:s6], $0xF7A  }
0x23: {  	s9 =	sor.u32 $0xD0000000, s2;
	s6 =	simm.s32 $0x108;
	_ =	swait.ge @!p0 [sflag:s8], $0x0  }
0x24: {  	s3 =	sadd.s32 $0x88, s3;
	s6 =	simm.s32 @!p1 $0x1082;
	[sflag:s4] =	ssyncset.s32 $0xFFFFF086  }
0x25: {  	[simem:s6], [sflag:s4] =	dma.local [hbm:s3], $0xF7A  }
0x26: {  	[smem:$0x3F9F] =	sst s1;
	(tag) =	ssettag s2;
	_ =	strace s9  }
0x27: {  	s1 =	sld [smem:$0x3FAF]  }
0x28: {  	s2 =	sld [smem:$0x3FB0]  }
0x29: {  	s4 =	sld [smem:$0x3FB2]  }
0x2a: {  	p0 =	seq.s32 s5, $0x0;
	s5 =	sld [smem:$0x3FB3]  }
0x2b: {  	s6 =	sld [smem:$0x3FB4]  }
0x2c: {  	s7 =	sld [smem:$0x3FB5]  }
0x2d: {  	s3 =	simm.s32 $0x108;
	s8 =	sld [smem:$0x3FB6]  }
0x2e: {  	s3 =	simm.s32 @!p0 $0x1082;
	s9 =	sld [smem:$0x3FB7]  }
0x2f: {  	lr =	sadd.s32 s0, s3;
	s0 =	sld [smem:$0x3FAE]  }
0x30: {  	s3 =	sld [smem:$0x3FB1]  }
0x31: {  	[smem:$0x3FBA] =	sst s10  }
0x32: {  	s10 =	sld [smem:$0x3FB8];
	_ =	sdelay $0x3  }
0x33: {  	p0 =	seq.s32 s10, $0x1;
	s10 =	sld [smem:$0x3FBA];
	_ =	sdelay $0x3  }
0x34: {  	[smem:$0x3FBA] =	sst s10  }
0x35: {  	s10 =	sld [smem:$0x3FB9];
	_ =	sdelay $0x3  }
0x36: {  	p1 =	seq.s32 s10, $0x1;
	s10 =	sld [smem:$0x3FBA];
	_ =	sdelay $0x3  }
0x37: {  	[smem:$0x3FBA] =	sst s10  }
0x38: {  	s10 =	sld [smem:$0x3FBB]  }
0x39: {  	_ = 	snop;
	(pc) =	sbr.ind lr, $3  }
0x3a: {  	_ = 	snop  }
0x3b: {  	_ = 	snop  }
0x3c: {  	p2 =	seq.s32 s10, $0x1;
	s10 =	sld [smem:$0x3FBA]  }
0x3d: {  	_ =	shalt  }
0x3e: {  	_ =	shalt  }
0x3f: {  	_ =	shalt  }
0x40: {  	_ =	shalt  }
0x41: {  	_ =	shalt  }
0x42: {  	_ =	shalt  }
0x43: {  	_ =	shalt  }
0x44: {  	_ =	shalt  }
0x45: {  	_ =	shalt  }
0x46: {  	_ =	shalt  }
0x47: {  	_ =	shalt  }
0x48: {  	_ =	shalt  }
0x49: {  	_ =	shalt  }
0x4a: {  	_ =	shalt  }
0x4b: {  	_ =	shalt  }
0x4c: {  	_ =	shalt  }
0x4d: {  	_ =	shalt  }
0x4e: {  	_ =	shalt  }
0x4f: {  	_ =	shalt  }
0x50: {  	_ =	shalt  }
0x51: {  	_ =	shalt  }
0x52: {  	_ =	shalt  }
0x53: {  	_ =	shalt  }
0x54: {  	_ =	shalt  }
0x55: {  	_ =	shalt  }
0x56: {  	_ =	shalt  }
0x57: {  	_ =	shalt  }
0x58: {  	_ =	shalt  }
0x59: {  	_ =	shalt  }
0x5a: {  	_ =	shalt  }
0x5b: {  	_ =	shalt  }
0x5c: {  	_ =	shalt  }
0x5d: {  	_ =	shalt  }
0x5e: {  	_ =	shalt  }
0x5f: {  	_ =	shalt  }
0x60: {  	_ =	shalt  }
0x61: {  	_ =	shalt  }
0x62: {  	_ =	shalt  }
0x63: {  	_ =	shalt  }
0x64: {  	_ =	shalt  }
0x65: {  	_ =	shalt  }
0x66: {  	_ =	shalt  }
0x67: {  	_ =	shalt  }
0x68: {  	_ =	shalt  }
0x69: {  	_ =	shalt  }
0x6a: {  	_ =	shalt  }
0x6b: {  	_ =	shalt  }
0x6c: {  	_ =	shalt  }
0x6d: {  	_ =	shalt  }
0x6e: {  	_ =	shalt  }
0x6f: {  	_ =	shalt  }
0x70: {  	_ =	shalt  }
0x71: {  	_ =	shalt  }
0x72: {  	_ =	shalt  }
0x73: {  	_ =	shalt  }
0x74: {  	_ =	shalt  }
0x75: {  	_ =	shalt  }
0x76: {  	_ =	shalt  }
0x77: {  	_ =	shalt  }
0x78: {  	_ =	shalt  }
0x79: {  	_ =	shalt  }
0x7a: {  	_ =	shalt  }
0x7b: {  	_ =	shalt  }
0x7c: {  	_ =	shalt  }
0x7d: {  	_ =	shalt  }
0x7e: {  	_ =	shalt  }
0x7f: {  	_ =	shalt  }
0x80: {  	_ =	shalt  }
0x81: {  	_ =	shalt  }
0x82: {  	_ =	shalt  }
0x83: {  	_ =	shalt  }
0x84: {  	_ =	shalt  }
0x85: {  	_ =	shalt  }
0x86: {  	_ =	shalt  }
0x87: {  	_ =	shalt  }
.Lfunc_end0:
.L_simem_size_0:
called_computation_lowered:
.L_overlay_start_0:
0x88: {  	s2 =	sld [smem:$0x3FD9]  }
0x89: {  	s3 =	sld [smem:$0x3FFE];
	_ =	sdelay $0x1  }
0x8a: {  	s1 =	srdreg.scid  }
0x8b: {  	s0 =	sand.u32 $0x1, s1  }
0x8c: {  	s18 =	sshll.u32 s0, $0xA;
	s2 =	sadd.s32 s3, s2  }
0x8d: {  	s2 =	sadd.s32 s2, s18  }
0x8e: {  	[smem:$0x3FC6] =	sst s2  }
0x8f: {  	_ = 	snop  }
0x90: {  	s2 =	sld [smem:$0x3FC9]  }
0x91: {  	s19 =	sld [smem:$0x3FC8]  }
0x92: {  	s4 =	sld [smem:$0x3FD0];
	(tm) =	ssettm $0x1  }
0x93: {  	s5 =	sld [smem:$0x3FFB];
	_ =	sdelay $0x3  }
0x94: {  	_ =	strace s5  }
0x95: {  	s5 =	sld [smem:$0x3FFC];
	_ =	sdelay $0x3  }
0x96: {  	_ =	strace s5  }
0x97: {  	s5 =	sld [smem:$0x3FFD];
	_ =	sdelay $0x3  }
0x98: {  	_ =	strace s5  }
0x99: {  	_ =	strace $0x8FFFFFFF  }
0x9a: {  	s20 =	sld [smem:$0x3FDB];
	_ =	sdelay $0x1  }
0x9b: {  	s6 =	simm.s32 $_scs_section_size  }
0x9c: {  	s7 =	simm.s32 $_size__tile_overlayer_lowered;
	s8 =	simm.s32 $_tile_overlayer_lowered  }
0x9d: {  	s23 =	simm.s32 $0x1BFF;
	s22 =	sshll.u32 s8, $0x1;
	s5 =	sadd.s32 s6, s20  }
0x9e: {  	s9 =	simm.s32 $0x0;
	s21 =	sshll.u32 s7, $0x1;
	s7 =	sadd.s32 s22, s5  }
0x9f: {  	[timem:s9], [sflag:s23] =	dma.local [hbm:s7], s21  }
0xa0: {  	_ =	swait.ge [sflag:s23], s21  }
0xa1: {  	s6 =	ssub.s32 $0x0, s21;
	[sflag:s23] =	ssyncset.done $0x0  }
0xa2: {  	[sflag:s23] =	ssyncadd.s32 s6;
	_ =	sdelay $0x1  }
0xa3: {  	s24 =	simm.s32 $0x1B8B  }
0xa4: {  	_ =	swait.ge [sflag:s24], $0x1  }
0xa5: {  	[sflag:s24] =	ssyncset.done $0x0  }
0xa6: {  	s25 =	simm.s32 $0x1B8E;
	[sflag:s24] =	ssyncadd.s32 $0xFFFFFFFF  }
0xa7: {  	s26 =	simm.s32 $execute0_lowered;
	[smem:$0x3FD2] =	sst s25  }
0xa8: {  	s6 =	sshll.u32 s26, $0x1;
	_ =	strace $0x80000046;
	[dreg:$0x1] =	wrdreg $0xFFFFFFFF  }
0xa9: {  	s28 =	simm.s32 $_size_execute0_lowered;
	s5 =	sadd.s32 s5, s6;
	[dreg:$0x0] =	wrdreg $0x0  }
0xaa: {  	s6 =	sshll.u32 s28, $0x1;
	[dreg:$0x2] =	wrdreg s5  }
0xab: {  	[dreg:$0x3] =	wrdreg s6  }
0xac: {  	[dreg:$0x4] =	wrdreg $0xC0  }
0xad: {  	_ =	task [dreg:s9], $0x5FFFF  }
0xae: {  	[dreg:$0x1] =	wrdreg $0xFFFFFFFF  }
0xaf: {  	[dreg:$0x0] =	wrdreg $0x60  }
0xb0: {  	[dreg:$0x2] =	wrdreg s2  }
0xb1: {  	[dreg:$0x3] =	wrdreg s19  }
0xb2: {  	[dreg:$0x4] =	wrdreg s4  }
0xb3: {  	[dreg:$0x5] =	wrdreg $0x9  }
0xb4: {  	_ =	task.clear_ibuf [dreg:s9], $0x6FFFF;
	_ =	strace $0x90000046  }
0xb5: {  	s29 =	simm.s32 $0x9;
	_ =	strace $0x80000048  }
0xb6: {  	_ =	swait.ge [sflag:s29], $0x1  }
0xb7: {  	[sflag:s29] =	ssyncadd.s32 $0xFFFFFFFF  }
0xb8: {  	_ =	strace $0x90000048  }
0xb9: {  	_ =	sfence  }
0xba: {  	s30 =	sld [smem:$0x0];
	_ =	sdelay $0x2  }
0xbb: {  	s31 =	sshll.u32 s1, $0xD;
	s1 =	sshrl.u32 s1, $0x2  }
0xbc: {  	s3 =	sand.u32 $0x4000, s31;
	s1 =	sadd.s32 s1, s30  }
0xbd: {  	s0 =	sor.u32 s3, s0;
	s1 =	sshll.u32 s1, $0x11  }
0xbe: {  	s0 =	sor.u32 s1, s0  }
0xbf: {  	s0 =	sadd.s32 $0x8F2B, s0  }
0xc0: {  	[sflag:s0] =	ssyncadd.remote.s32 $0x1  }
0xc1: {  	_ =	sfence.sel $0xFFFF  }
0xc2: {  	[dreg:$0x0] =	wrdreg $0xFFFFFFFF;
	(pc) =	sbr.abs _section_cstart, $3  }
0xc3: {  	[dreg:$0x1] =	wrdreg $0xFFFFFFFF  }
0xc4: {  	_ =	task.clear_ibuf [dreg:s9], $0x2FFFF;
	_ =	strace $0x9FFFFFFF  }
0xc5: {  	(tm) =	ssettm $0x7FFFFFFF  }
tec
execute0_lowered:
.L_overlay_start_1:
0x0: {  	(tag) =	ssettag $0x1  }
0x1: {  	s1 =	rddreg [dreg:$0x0]  }
0x2: {  	s6 =	rddreg [dreg:$0x1]  }
0x3: {  	s3 =	rddreg [dreg:$0x2];
	s4 =	srdreg.scid  }
0x4: {  	s0 =	rddreg [dreg:$0x3];
	s2 =	stileid.u32;
	s10 =	simm.s32 $0x200  }
0x5: {  	s11 =	simm.s32 $0x400;
	s12 =	simm.s32 $0x8000;
	s4 =	sand.u32 $0x1, s4  }
0x6: {  	s13 =	simm.s32 $0x0;
	s5 =	sshll.u32 s2, $0x7;
	s7 =	ssub.s32 $0x2, s4  }
0x7: {  	s8 =	sshll.u32 s4, $0x6;
	s4 =	simm.s32 $0x0;
	s9 =	sshrl.u32 s7, $0x1  }
0x8: {  	s5 =	sor.u32 s8, s5;
	[smem:$0x7FF] =	sst s4;
	s7 =	ssub.s32 s7, s9  }
0x9: {  	s8 =	sshrl.u32 s5, $0x3;
	_ =	strace $0x80000047;
	s9 =	simm.s32 $0x1  }
0xa: {  	s6 =	sadd.s32 s6, s8;
	s7 =	smax.u32 s7, $0x1;
	s8 =	simm.s32 $0x10000  }
.LBB2_1:
0xb: {  	[tilespmem:s8], [sflag:$0x1] =	stream.linear.gather [hbm4b:s6+s4], $0x40, $0x38;
	[tilespmem:$0x10080] =	vst v63  }
0xc: {  	_ =	swait.ge [sflag:s9], $0x40  }
0xd: {  	[sflag:s9] =	ssyncset.done $0x0  }
0xe: {  	[sflag:s9] =	ssyncadd.s32 $0xFFFFFFC0  }
0xf: {  	v0 =	vld [tilespmem:$0x10000];
	_ =	sdelay $0x4  }
0x10: {  	v0 =	vsub.f32 $0.0e+00, v0;
	_ =	sdelay $0x1  }
0x11: {  	v0 =	vmul.f32 $1.442695020e+00, v0;
	_ =	sdelay $0x1  }
0x12: {  	(erf) = vpow2.f32 v0;
	_ =	sdelay $0x3  }
0x13: {  	v58 =	vld [tilespmem:$0x10010];
	_ =	sdelay $0x4  }
0x14: {  	v0 =	vsub.f32 $0.0e+00, v58;
	v1 =	vpop (erf)  }
0x15: {  	v1 =	vadd.f32 $1.000000000e+00, v1  }
0x16: {  	v0 =	vmul.f32 $1.442695020e+00, v0  }
0x17: {  	(erf) = vrcp.f32 v1  }
0x18: {  	(erf) = vpow2.f32 v0;
	_ =	sdelay $0x3  }
0x19: {  	v59 =	vld [tilespmem:$0x10020];
	_ =	sdelay $0x3  }
0x1a: {  	v1 =	vpop (erf)  }
0x1b: {  	v0 =	vsub.f32 $0.0e+00, v59;
	v2 =	vpop (erf)  }
0x1c: {  	v2 =	vadd.f32 $1.000000000e+00, v2  }
0x1d: {  	v0 =	vmul.f32 $1.442695020e+00, v0  }
0x1e: {  	(erf) = vrcp.f32 v2  }
0x1f: {  	(erf) = vpow2.f32 v0;
	_ =	sdelay $0x3  }
0x20: {  	v60 =	vld [tilespmem:$0x10030];
	_ =	sdelay $0x3  }
0x21: {  	v2 =	vpop (erf)  }
0x22: {  	v0 =	vsub.f32 $0.0e+00, v60;
	v3 =	vpop (erf)  }
0x23: {  	v3 =	vadd.f32 $1.000000000e+00, v3  }
0x24: {  	v0 =	vmul.f32 $1.442695020e+00, v0  }
0x25: {  	(erf) = vrcp.f32 v3  }
0x26: {  	(erf) = vpow2.f32 v0;
	_ =	sdelay $0x7  }
0x27: {  	v61 =	vpop (erf)  }
0x28: {  	v62 =	vpop (erf)  }
0x29: {  	v3 =	vadd.f32 $1.000000000e+00, v62;
	_ =	sdelay $0x1  }
0x2a: {  	(erf) = vrcp.f32 v3;
	_ =	sdelay $0x6  }
0x2b: {  	[tilespmem:$0x10000] =	vst v1  }
0x2c: {  	[tilespmem:$0x10010] =	vst v2  }
0x2d: {  	[tilespmem:$0x10020] =	vst v61;
	v63 =	vpop (erf)  }
0x2e: {  	s14 =	simm.s32 $0x0;
	[tilespmem:$0x10030] =	vst v63  }
.LBB2_2:
0x2f: {  	s17 =	sshll.u32 s14, $0x2  }
0x30: {  	s15 =	sadd.s32 s5, s17  }
0x31: {  	s16 =	sshll.u32 s14, $0x6;
	s15 =	sshll.u32 s15, $0xA  }
0x32: {  	s16 =	sand.u32 $0x40, s16;
	s15 =	sand.u32 $0x1FE000, s15  }
0x33: {  	s15 =	sor.u32 s16, s15  }
0x34: {  	s16 =	sadd.s32 s1, s15  }
0x35: {  	[tilespmem:s4], [sflag:$0x1] =	stream.strided.gather [hbm4b:s16+s10], $0x8000, s11, s10, $0x38;
	[tilespmem:$0x10080] =	vst v63  }
0x36: {  	s31 =	sshll.u32 s14, $0x4;
	_ =	swait.ge [sflag:s9], $0x8000  }
0x37: {  	s16 =	sand.u32 $0xC0, s31;
	[sflag:s9] =	ssyncset.done $0x0  }
0x38: {  	s16 =	sshrl.u32 s16, $0x2;
	[sflag:s9] =	ssyncadd.s32 $0xFFFF8000  }
0x39: {  	v0 =	vld [tilespmem:s16+$0x10000]  }
0x3a: {  	s19 =	simm.s32 $0x40  }
0x3b: {  	v1 =	vld [tilespmem:s19+$0xFFFFFFC0]  }
0x3c: {  	s17 =	sand.u32 $0xC, s17  }
0x3d: {  	v2 =	vmov s17  }
0x3e: {  	v0 =	vperm.xlane v0, v2;
	_ =	sdelay $0x1  }
0x3f: {  	v2 =	vsub.f32 v1, v0;
	v1 =	vadd.f32 v1, v0;
	_ =	sdelay $0x1  }
0x40: {  	v2 =	vmax.f32 v2, $0.0e+00;
	v1 =	vmin.f32 v1, $0.0e+00  }
0x41: {  	v1 =	vadd.f32 v1, v2  }
0x42: {  	s18 =	simm.s32 $0x8040  }
0x43: {  	[tilespmem:s18+$0xFFFFFFC0] =	vst v1  }
0x44: {  	v1 =	vld [tilespmem:s19+$0xFFFFFFD0];
	_ =	sdelay $0x4  }
0x45: {  	v2 =	vsub.f32 v1, v0;
	v1 =	vadd.f32 v1, v0;
	_ =	sdelay $0x1  }
0x46: {  	v2 =	vmax.f32 v2, $0.0e+00;
	v1 =	vmin.f32 v1, $0.0e+00  }
0x47: {  	v1 =	vadd.f32 v1, v2;
	_ =	sdelay $0x1  }
0x48: {  	[tilespmem:s18+$0xFFFFFFD0] =	vst v1  }
0x49: {  	v1 =	vld [tilespmem:s19+$0xFFFFFFE0];
	_ =	sdelay $0x4  }
0x4a: {  	v2 =	vsub.f32 v1, v0;
	v1 =	vadd.f32 v1, v0;
	_ =	sdelay $0x1  }
0x4b: {  	v2 =	vmax.f32 v2, $0.0e+00;
	v1 =	vmin.f32 v1, $0.0e+00  }
0x4c: {  	v1 =	vadd.f32 v1, v2;
	_ =	sdelay $0x1  }
0x4d: {  	[tilespmem:s18+$0xFFFFFFE0] =	vst v1  }
0x4e: {  	v1 =	vld [tilespmem:s19+$0xFFFFFFF0];
	_ =	sdelay $0x4  }
0x4f: {  	v2 =	vsub.f32 v1, v0;
	v1 =	vadd.f32 v1, v0;
	_ =	sdelay $0x1  }
0x50: {  	v2 =	vmax.f32 v2, $0.0e+00;
	v1 =	vmin.f32 v1, $0.0e+00  }
0x51: {  	v1 =	vadd.f32 v1, v2;
	_ =	sdelay $0x1  }
0x52: {  	[tilespmem:s18+$0xFFFFFFF0] =	vst v1  }
0x53: {  	v1 =	vld [tilespmem:s19+$0x0];
	_ =	sdelay $0x4  }
0x54: {  	v2 =	vsub.f32 v1, v0;
	v1 =	vadd.f32 v1, v0;
	_ =	sdelay $0x1  }
0x55: {  	v2 =	vmax.f32 v2, $0.0e+00;
	v1 =	vmin.f32 v1, $0.0e+00  }
0x56: {  	v1 =	vadd.f32 v1, v2;
	_ =	sdelay $0x1  }
0x57: {  	[tilespmem:s18+$0x0] =	vst v1  }
0x58: {  	v1 =	vld [tilespmem:s19+$0x10];
	_ =	sdelay $0x4  }
0x59: {  	v2 =	vsub.f32 v1, v0;
	v1 =	vadd.f32 v1, v0;
	_ =	sdelay $0x1  }
0x5a: {  	v2 =	vmax.f32 v2, $0.0e+00;
	v1 =	vmin.f32 v1, $0.0e+00  }
0x5b: {  	v1 =	vadd.f32 v1, v2;
	_ =	sdelay $0x1  }
0x5c: {  	[tilespmem:s18+$0x10] =	vst v1  }
0x5d: {  	v1 =	vld [tilespmem:s19+$0x20];
	_ =	sdelay $0x4  }
0x5e: {  	v2 =	vsub.f32 v1, v0;
	v1 =	vadd.f32 v1, v0;
	_ =	sdelay $0x1  }
0x5f: {  	v2 =	vmax.f32 v2, $0.0e+00;
	v1 =	vmin.f32 v1, $0.0e+00  }
0x60: {  	v1 =	vadd.f32 v1, v2;
	_ =	sdelay $0x1  }
0x61: {  	[tilespmem:s18+$0x20] =	vst v1  }
0x62: {  	v1 =	vld [tilespmem:s19+$0x30];
	_ =	sdelay $0x4  }
0x63: {  	v2 =	vsub.f32 v1, v0;
	v1 =	vadd.f32 v1, v0;
	_ =	sdelay $0x1  }
0x64: {  	v2 =	vmax.f32 v2, $0.0e+00;
	v1 =	vmin.f32 v1, $0.0e+00  }
0x65: {  	v1 =	vadd.f32 v1, v2;
	_ =	sdelay $0x1  }
0x66: {  	s20 =	simm.s32 $0x240;
	s19 =	simm.s32 $0x0;
	[tilespmem:s18+$0x30] =	vst v1  }
.LBB2_3:
0x67: {  	v1 =	vld [tilespmem:s20+$0xFFFFFFC0];
	s19 =	sadd.s32 $0x8, s19  }
0x68: {  	p0 =	slt.u32 s19, $0x1F8;
	_ =	sdelay $0x3  }
0x69: {  	v2 =	vsub.f32 v1, v0;
	v1 =	vadd.f32 v1, v0;
	_ =	sdelay $0x1  }
0x6a: {  	v2 =	vmax.f32 v2, $0.0e+00;
	v1 =	vmin.f32 v1, $0.0e+00  }
0x6b: {  	v1 =	vadd.f32 v1, v2  }
0x6c: {  	s18 =	sadd.s32 $0x200, s18  }
0x6d: {  	[tilespmem:s18+$0xFFFFFFC0] =	vst v1  }
0x6e: {  	v1 =	vld [tilespmem:s20+$0xFFFFFFD0];
	_ =	sdelay $0x4  }
0x6f: {  	v2 =	vsub.f32 v1, v0;
	v1 =	vadd.f32 v1, v0;
	_ =	sdelay $0x1  }
0x70: {  	v2 =	vmax.f32 v2, $0.0e+00;
	v1 =	vmin.f32 v1, $0.0e+00  }
0x71: {  	v1 =	vadd.f32 v1, v2;
	_ =	sdelay $0x1  }
0x72: {  	[tilespmem:s18+$0xFFFFFFD0] =	vst v1  }
0x73: {  	v1 =	vld [tilespmem:s20+$0xFFFFFFE0];
	_ =	sdelay $0x4  }
0x74: {  	v2 =	vsub.f32 v1, v0;
	v1 =	vadd.f32 v1, v0;
	_ =	sdelay $0x1  }
0x75: {  	v2 =	vmax.f32 v2, $0.0e+00;
	v1 =	vmin.f32 v1, $0.0e+00  }
0x76: {  	v1 =	vadd.f32 v1, v2;
	_ =	sdelay $0x1  }
0x77: {  	[tilespmem:s18+$0xFFFFFFE0] =	vst v1  }
0x78: {  	v1 =	vld [tilespmem:s20+$0xFFFFFFF0];
	_ =	sdelay $0x4  }
0x79: {  	v2 =	vsub.f32 v1, v0;
	v1 =	vadd.f32 v1, v0;
	_ =	sdelay $0x1  }
0x7a: {  	v2 =	vmax.f32 v2, $0.0e+00;
	v1 =	vmin.f32 v1, $0.0e+00  }
0x7b: {  	v1 =	vadd.f32 v1, v2;
	_ =	sdelay $0x1  }
0x7c: {  	[tilespmem:s18+$0xFFFFFFF0] =	vst v1  }
0x7d: {  	v1 =	vld [tilespmem:s20+$0x0];
	_ =	sdelay $0x4  }
0x7e: {  	v2 =	vsub.f32 v1, v0;
	v1 =	vadd.f32 v1, v0;
	_ =	sdelay $0x1  }
0x7f: {  	v2 =	vmax.f32 v2, $0.0e+00;
	v1 =	vmin.f32 v1, $0.0e+00  }
0x80: {  	v1 =	vadd.f32 v1, v2;
	_ =	sdelay $0x1  }
0x81: {  	[tilespmem:s18+$0x0] =	vst v1  }
0x82: {  	v1 =	vld [tilespmem:s20+$0x10];
	_ =	sdelay $0x4  }
0x83: {  	v2 =	vsub.f32 v1, v0;
	v1 =	vadd.f32 v1, v0;
	_ =	sdelay $0x1  }
0x84: {  	v2 =	vmax.f32 v2, $0.0e+00;
	v1 =	vmin.f32 v1, $0.0e+00  }
0x85: {  	v1 =	vadd.f32 v1, v2;
	_ =	sdelay $0x1  }
0x86: {  	[tilespmem:s18+$0x10] =	vst v1  }
0x87: {  	v1 =	vld [tilespmem:s20+$0x20];
	_ =	sdelay $0x4  }
0x88: {  	v2 =	vsub.f32 v1, v0;
	v1 =	vadd.f32 v1, v0;
	_ =	sdelay $0x1  }
0x89: {  	v2 =	vmax.f32 v2, $0.0e+00;
	v1 =	vmin.f32 v1, $0.0e+00  }
0x8a: {  	v1 =	vadd.f32 v1, v2;
	_ =	sdelay $0x1  }
0x8b: {  	[tilespmem:s18+$0x20] =	vst v1  }
0x8c: {  	v1 =	vld [tilespmem:s20+$0x30];
	_ =	sdelay $0x4  }
0x8d: {  	v2 =	vsub.f32 v1, v0;
	v1 =	vadd.f32 v1, v0  }
.Ltmp0:
0x8e: {  	(pc) =	sbr.rel @p0 .LBB2_3-.Ltmp0, $3  }
0x8f: {  	v2 =	vmax.f32 v2, $0.0e+00;
	v1 =	vmin.f32 v1, $0.0e+00  }
0x90: {  	v1 =	vadd.f32 v1, v2;
	_ =	sdelay $0x1  }
0x91: {  	s20 =	sadd.s32 $0x200, s20;
	[tilespmem:s18+$0x30] =	vst v1  }
0x92: {  	v0 =	vld [tilespmem:s16+$0x10000]  }
0x93: {  	s19 =	simm.s32 $0xF0  }
0x94: {  	v1 =	vld [tilespmem:s19+$0xFFFFFF90]  }
0x95: {  	s18 =	sor.u32 $0x1, s17  }
0x96: {  	v2 =	vmov s18  }
0x97: {  	v0 =	vperm.xlane v0, v2;
	_ =	sdelay $0x1  }
0x98: {  	v2 =	vsub.f32 v1, v0;
	v1 =	vadd.f32 v1, v0;
	_ =	sdelay $0x1  }
0x99: {  	v2 =	vmax.f32 v2, $0.0e+00;
	v1 =	vmin.f32 v1, $0.0e+00  }
0x9a: {  	v1 =	vadd.f32 v1, v2  }
0x9b: {  	s18 =	simm.s32 $0x80F0  }
0x9c: {  	[tilespmem:s18+$0xFFFFFF90] =	vst v1  }
0x9d: {  	v1 =	vld [tilespmem:s19+$0xFFFFFFA0];
	_ =	sdelay $0x4  }
0x9e: {  	v2 =	vsub.f32 v1, v0;
	v1 =	vadd.f32 v1, v0;
	_ =	sdelay $0x1  }
0x9f: {  	v2 =	vmax.f32 v2, $0.0e+00;
	v1 =	vmin.f32 v1, $0.0e+00  }
0xa0: {  	v1 =	vadd.f32 v1, v2;
	_ =	sdelay $0x1  }
0xa1: {  	[tilespmem:s18+$0xFFFFFFA0] =	vst v1  }
0xa2: {  	v1 =	vld [tilespmem:s19+$0xFFFFFFB0];
	_ =	sdelay $0x4  }
0xa3: {  	v2 =	vsub.f32 v1, v0;
	v1 =	vadd.f32 v1, v0;
	_ =	sdelay $0x1  }
0xa4: {  	v2 =	vmax.f32 v2, $0.0e+00;
	v1 =	vmin.f32 v1, $0.0e+00  }
0xa5: {  	v1 =	vadd.f32 v1, v2;
	_ =	sdelay $0x1  }
0xa6: {  	[tilespmem:s18+$0xFFFFFFB0] =	vst v1  }
0xa7: {  	v1 =	vld [tilespmem:s19+$0xFFFFFFC0];
	_ =	sdelay $0x4  }
0xa8: {  	v2 =	vsub.f32 v1, v0;
	v1 =	vadd.f32 v1, v0;
	_ =	sdelay $0x1  }
0xa9: {  	v2 =	vmax.f32 v2, $0.0e+00;
	v1 =	vmin.f32 v1, $0.0e+00  }
0xaa: {  	v1 =	vadd.f32 v1, v2;
	_ =	sdelay $0x1  }
0xab: {  	[tilespmem:s18+$0xFFFFFFC0] =	vst v1  }
0xac: {  	v1 =	vld [tilespmem:s19+$0xFFFFFFD0];
	_ =	sdelay $0x4  }
0xad: {  	v2 =	vsub.f32 v1, v0;
	v1 =	vadd.f32 v1, v0;
	_ =	sdelay $0x1  }
0xae: {  	v2 =	vmax.f32 v2, $0.0e+00;
	v1 =	vmin.f32 v1, $0.0e+00  }
0xaf: {  	v1 =	vadd.f32 v1, v2;
	_ =	sdelay $0x1  }
0xb0: {  	[tilespmem:s18+$0xFFFFFFD0] =	vst v1  }
0xb1: {  	v1 =	vld [tilespmem:s19+$0xFFFFFFE0];
	_ =	sdelay $0x4  }
0xb2: {  	v2 =	vsub.f32 v1, v0;
	v1 =	vadd.f32 v1, v0;
	_ =	sdelay $0x1  }
0xb3: {  	v2 =	vmax.f32 v2, $0.0e+00;
	v1 =	vmin.f32 v1, $0.0e+00  }
0xb4: {  	v1 =	vadd.f32 v1, v2;
	_ =	sdelay $0x1  }
0xb5: {  	[tilespmem:s18+$0xFFFFFFE0] =	vst v1  }
0xb6: {  	v1 =	vld [tilespmem:s19+$0xFFFFFFF0];
	_ =	sdelay $0x4  }
0xb7: {  	v2 =	vsub.f32 v1, v0;
	v1 =	vadd.f32 v1, v0;
	_ =	sdelay $0x1  }
0xb8: {  	v2 =	vmax.f32 v2, $0.0e+00;
	v1 =	vmin.f32 v1, $0.0e+00  }
0xb9: {  	v1 =	vadd.f32 v1, v2;
	_ =	sdelay $0x1  }
0xba: {  	[tilespmem:s18+$0xFFFFFFF0] =	vst v1  }
0xbb: {  	v1 =	vld [tilespmem:s19+$0x0];
	_ =	sdelay $0x4  }
0xbc: {  	v2 =	vsub.f32 v1, v0;
	v1 =	vadd.f32 v1, v0;
	_ =	sdelay $0x1  }
0xbd: {  	v2 =	vmax.f32 v2, $0.0e+00;
	v1 =	vmin.f32 v1, $0.0e+00  }
0xbe: {  	v1 =	vadd.f32 v1, v2;
	_ =	sdelay $0x1  }
0xbf: {  	s20 =	simm.s32 $0x2F0;
	s19 =	simm.s32 $0x0;
	[tilespmem:s18+$0x0] =	vst v1  }
.LBB2_5:
0xc0: {  	v1 =	vld [tilespmem:s20+$0xFFFFFF90];
	s19 =	sadd.s32 $0x8, s19  }
0xc1: {  	p0 =	slt.u32 s19, $0x1F8;
	_ =	sdelay $0x3  }
0xc2: {  	v2 =	vsub.f32 v1, v0;
	v1 =	vadd.f32 v1, v0;
	_ =	sdelay $0x1  }
0xc3: {  	v2 =	vmax.f32 v2, $0.0e+00;
	v1 =	vmin.f32 v1, $0.0e+00  }
0xc4: {  	v1 =	vadd.f32 v1, v2  }
0xc5: {  	s18 =	sadd.s32 $0x200, s18  }
0xc6: {  	[tilespmem:s18+$0xFFFFFF90] =	vst v1  }
0xc7: {  	v1 =	vld [tilespmem:s20+$0xFFFFFFA0];
	_ =	sdelay $0x4  }
0xc8: {  	v2 =	vsub.f32 v1, v0;
	v1 =	vadd.f32 v1, v0;
	_ =	sdelay $0x1  }
0xc9: {  	v2 =	vmax.f32 v2, $0.0e+00;
	v1 =	vmin.f32 v1, $0.0e+00  }
0xca: {  	v1 =	vadd.f32 v1, v2;
	_ =	sdelay $0x1  }
0xcb: {  	[tilespmem:s18+$0xFFFFFFA0] =	vst v1  }
0xcc: {  	v1 =	vld [tilespmem:s20+$0xFFFFFFB0];
	_ =	sdelay $0x4  }
0xcd: {  	v2 =	vsub.f32 v1, v0;
	v1 =	vadd.f32 v1, v0;
	_ =	sdelay $0x1  }
0xce: {  	v2 =	vmax.f32 v2, $0.0e+00;
	v1 =	vmin.f32 v1, $0.0e+00  }
0xcf: {  	v1 =	vadd.f32 v1, v2;
	_ =	sdelay $0x1  }
0xd0: {  	[tilespmem:s18+$0xFFFFFFB0] =	vst v1  }
0xd1: {  	v1 =	vld [tilespmem:s20+$0xFFFFFFC0];
	_ =	sdelay $0x4  }
0xd2: {  	v2 =	vsub.f32 v1, v0;
	v1 =	vadd.f32 v1, v0;
	_ =	sdelay $0x1  }
0xd3: {  	v2 =	vmax.f32 v2, $0.0e+00;
	v1 =	vmin.f32 v1, $0.0e+00  }
0xd4: {  	v1 =	vadd.f32 v1, v2;
	_ =	sdelay $0x1  }
0xd5: {  	[tilespmem:s18+$0xFFFFFFC0] =	vst v1  }
0xd6: {  	v1 =	vld [tilespmem:s20+$0xFFFFFFD0];
	_ =	sdelay $0x4  }
0xd7: {  	v2 =	vsub.f32 v1, v0;
	v1 =	vadd.f32 v1, v0;
	_ =	sdelay $0x1  }
0xd8: {  	v2 =	vmax.f32 v2, $0.0e+00;
	v1 =	vmin.f32 v1, $0.0e+00  }
0xd9: {  	v1 =	vadd.f32 v1, v2;
	_ =	sdelay $0x1  }
0xda: {  	[tilespmem:s18+$0xFFFFFFD0] =	vst v1  }
0xdb: {  	v1 =	vld [tilespmem:s20+$0xFFFFFFE0];
	_ =	sdelay $0x4  }
0xdc: {  	v2 =	vsub.f32 v1, v0;
	v1 =	vadd.f32 v1, v0;
	_ =	sdelay $0x1  }
0xdd: {  	v2 =	vmax.f32 v2, $0.0e+00;
	v1 =	vmin.f32 v1, $0.0e+00  }
0xde: {  	v1 =	vadd.f32 v1, v2;
	_ =	sdelay $0x1  }
0xdf: {  	[tilespmem:s18+$0xFFFFFFE0] =	vst v1  }
0xe0: {  	v1 =	vld [tilespmem:s20+$0xFFFFFFF0];
	_ =	sdelay $0x4  }
0xe1: {  	v2 =	vsub.f32 v1, v0;
	v1 =	vadd.f32 v1, v0;
	_ =	sdelay $0x1  }
0xe2: {  	v2 =	vmax.f32 v2, $0.0e+00;
	v1 =	vmin.f32 v1, $0.0e+00  }
0xe3: {  	v1 =	vadd.f32 v1, v2;
	_ =	sdelay $0x1  }
0xe4: {  	[tilespmem:s18+$0xFFFFFFF0] =	vst v1  }
0xe5: {  	v1 =	vld [tilespmem:s20+$0x0];
	_ =	sdelay $0x4  }
0xe6: {  	v2 =	vsub.f32 v1, v0;
	v1 =	vadd.f32 v1, v0  }
.Ltmp1:
0xe7: {  	(pc) =	sbr.rel @p0 .LBB2_5-.Ltmp1, $3  }
0xe8: {  	v2 =	vmax.f32 v2, $0.0e+00;
	v1 =	vmin.f32 v1, $0.0e+00  }
0xe9: {  	v1 =	vadd.f32 v1, v2;
	_ =	sdelay $0x1  }
0xea: {  	s20 =	sadd.s32 $0x200, s20;
	[tilespmem:s18+$0x0] =	vst v1  }
0xeb: {  	v0 =	vld [tilespmem:s16+$0x10000]  }
0xec: {  	s19 =	simm.s32 $0x170  }
0xed: {  	v1 =	vld [tilespmem:s19+$0xFFFFFF90]  }
0xee: {  	s18 =	sor.u32 $0x2, s17  }
0xef: {  	v2 =	vmov s18  }
0xf0: {  	v0 =	vperm.xlane v0, v2;
	_ =	sdelay $0x1  }
0xf1: {  	v2 =	vsub.f32 v1, v0;
	v1 =	vadd.f32 v1, v0;
	_ =	sdelay $0x1  }
0xf2: {  	v2 =	vmax.f32 v2, $0.0e+00;
	v1 =	vmin.f32 v1, $0.0e+00  }
0xf3: {  	v1 =	vadd.f32 v1, v2  }
0xf4: {  	s18 =	simm.s32 $0x8170  }
0xf5: {  	[tilespmem:s18+$0xFFFFFF90] =	vst v1  }
0xf6: {  	v1 =	vld [tilespmem:s19+$0xFFFFFFA0];
	_ =	sdelay $0x4  }
0xf7: {  	v2 =	vsub.f32 v1, v0;
	v1 =	vadd.f32 v1, v0;
	_ =	sdelay $0x1  }
0xf8: {  	v2 =	vmax.f32 v2, $0.0e+00;
	v1 =	vmin.f32 v1, $0.0e+00  }
0xf9: {  	v1 =	vadd.f32 v1, v2;
	_ =	sdelay $0x1  }
0xfa: {  	[tilespmem:s18+$0xFFFFFFA0] =	vst v1  }
0xfb: {  	v1 =	vld [tilespmem:s19+$0xFFFFFFB0];
	_ =	sdelay $0x4  }
0xfc: {  	v2 =	vsub.f32 v1, v0;
	v1 =	vadd.f32 v1, v0;
	_ =	sdelay $0x1  }
0xfd: {  	v2 =	vmax.f32 v2, $0.0e+00;
	v1 =	vmin.f32 v1, $0.0e+00  }
0xfe: {  	v1 =	vadd.f32 v1, v2;
	_ =	sdelay $0x1  }
0xff: {  	[tilespmem:s18+$0xFFFFFFB0] =	vst v1  }
0x100: {  	v1 =	vld [tilespmem:s19+$0xFFFFFFC0];
	_ =	sdelay $0x4  }
0x101: {  	v2 =	vsub.f32 v1, v0;
	v1 =	vadd.f32 v1, v0;
	_ =	sdelay $0x1  }
0x102: {  	v2 =	vmax.f32 v2, $0.0e+00;
	v1 =	vmin.f32 v1, $0.0e+00  }
0x103: {  	v1 =	vadd.f32 v1, v2;
	_ =	sdelay $0x1  }
0x104: {  	[tilespmem:s18+$0xFFFFFFC0] =	vst v1  }
0x105: {  	v1 =	vld [tilespmem:s19+$0xFFFFFFD0];
	_ =	sdelay $0x4  }
0x106: {  	v2 =	vsub.f32 v1, v0;
	v1 =	vadd.f32 v1, v0;
	_ =	sdelay $0x1  }
0x107: {  	v2 =	vmax.f32 v2, $0.0e+00;
	v1 =	vmin.f32 v1, $0.0e+00  }
0x108: {  	v1 =	vadd.f32 v1, v2;
	_ =	sdelay $0x1  }
0x109: {  	[tilespmem:s18+$0xFFFFFFD0] =	vst v1  }
0x10a: {  	v1 =	vld [tilespmem:s19+$0xFFFFFFE0];
	_ =	sdelay $0x4  }
0x10b: {  	v2 =	vsub.f32 v1, v0;
	v1 =	vadd.f32 v1, v0;
	_ =	sdelay $0x1  }
0x10c: {  	v2 =	vmax.f32 v2, $0.0e+00;
	v1 =	vmin.f32 v1, $0.0e+00  }
0x10d: {  	v1 =	vadd.f32 v1, v2;
	_ =	sdelay $0x1  }
0x10e: {  	[tilespmem:s18+$0xFFFFFFE0] =	vst v1  }
0x10f: {  	v1 =	vld [tilespmem:s19+$0xFFFFFFF0];
	_ =	sdelay $0x4  }
0x110: {  	v2 =	vsub.f32 v1, v0;
	v1 =	vadd.f32 v1, v0;
	_ =	sdelay $0x1  }
0x111: {  	v2 =	vmax.f32 v2, $0.0e+00;
	v1 =	vmin.f32 v1, $0.0e+00  }
0x112: {  	v1 =	vadd.f32 v1, v2;
	_ =	sdelay $0x1  }
0x113: {  	[tilespmem:s18+$0xFFFFFFF0] =	vst v1  }
0x114: {  	v1 =	vld [tilespmem:s19+$0x0];
	_ =	sdelay $0x4  }
0x115: {  	v2 =	vsub.f32 v1, v0;
	v1 =	vadd.f32 v1, v0;
	_ =	sdelay $0x1  }
0x116: {  	v2 =	vmax.f32 v2, $0.0e+00;
	v1 =	vmin.f32 v1, $0.0e+00  }
0x117: {  	v1 =	vadd.f32 v1, v2;
	_ =	sdelay $0x1  }
0x118: {  	s20 =	simm.s32 $0x370;
	s19 =	simm.s32 $0x0;
	[tilespmem:s18+$0x0] =	vst v1  }
.LBB2_7:
0x119: {  	v1 =	vld [tilespmem:s20+$0xFFFFFF90];
	s19 =	sadd.s32 $0x8, s19  }
0x11a: {  	p0 =	slt.u32 s19, $0x1F8;
	_ =	sdelay $0x3  }
0x11b: {  	v2 =	vsub.f32 v1, v0;
	v1 =	vadd.f32 v1, v0;
	_ =	sdelay $0x1  }
0x11c: {  	v2 =	vmax.f32 v2, $0.0e+00;
	v1 =	vmin.f32 v1, $0.0e+00  }
0x11d: {  	v1 =	vadd.f32 v1, v2  }
0x11e: {  	s18 =	sadd.s32 $0x200, s18  }
0x11f: {  	[tilespmem:s18+$0xFFFFFF90] =	vst v1  }
0x120: {  	v1 =	vld [tilespmem:s20+$0xFFFFFFA0];
	_ =	sdelay $0x4  }
0x121: {  	v2 =	vsub.f32 v1, v0;
	v1 =	vadd.f32 v1, v0;
	_ =	sdelay $0x1  }
0x122: {  	v2 =	vmax.f32 v2, $0.0e+00;
	v1 =	vmin.f32 v1, $0.0e+00  }
0x123: {  	v1 =	vadd.f32 v1, v2;
	_ =	sdelay $0x1  }
0x124: {  	[tilespmem:s18+$0xFFFFFFA0] =	vst v1  }
0x125: {  	v1 =	vld [tilespmem:s20+$0xFFFFFFB0];
	_ =	sdelay $0x4  }
0x126: {  	v2 =	vsub.f32 v1, v0;
	v1 =	vadd.f32 v1, v0;
	_ =	sdelay $0x1  }
0x127: {  	v2 =	vmax.f32 v2, $0.0e+00;
	v1 =	vmin.f32 v1, $0.0e+00  }
0x128: {  	v1 =	vadd.f32 v1, v2;
	_ =	sdelay $0x1  }
0x129: {  	[tilespmem:s18+$0xFFFFFFB0] =	vst v1  }
0x12a: {  	v1 =	vld [tilespmem:s20+$0xFFFFFFC0];
	_ =	sdelay $0x4  }
0x12b: {  	v2 =	vsub.f32 v1, v0;
	v1 =	vadd.f32 v1, v0;
	_ =	sdelay $0x1  }
0x12c: {  	v2 =	vmax.f32 v2, $0.0e+00;
	v1 =	vmin.f32 v1, $0.0e+00  }
0x12d: {  	v1 =	vadd.f32 v1, v2;
	_ =	sdelay $0x1  }
0x12e: {  	[tilespmem:s18+$0xFFFFFFC0] =	vst v1  }
0x12f: {  	v1 =	vld [tilespmem:s20+$0xFFFFFFD0];
	_ =	sdelay $0x4  }
0x130: {  	v2 =	vsub.f32 v1, v0;
	v1 =	vadd.f32 v1, v0;
	_ =	sdelay $0x1  }
0x131: {  	v2 =	vmax.f32 v2, $0.0e+00;
	v1 =	vmin.f32 v1, $0.0e+00  }
0x132: {  	v1 =	vadd.f32 v1, v2;
	_ =	sdelay $0x1  }
0x133: {  	[tilespmem:s18+$0xFFFFFFD0] =	vst v1  }
0x134: {  	v1 =	vld [tilespmem:s20+$0xFFFFFFE0];
	_ =	sdelay $0x4  }
0x135: {  	v2 =	vsub.f32 v1, v0;
	v1 =	vadd.f32 v1, v0;
	_ =	sdelay $0x1  }
0x136: {  	v2 =	vmax.f32 v2, $0.0e+00;
	v1 =	vmin.f32 v1, $0.0e+00  }
0x137: {  	v1 =	vadd.f32 v1, v2;
	_ =	sdelay $0x1  }
0x138: {  	[tilespmem:s18+$0xFFFFFFE0] =	vst v1  }
0x139: {  	v1 =	vld [tilespmem:s20+$0xFFFFFFF0];
	_ =	sdelay $0x4  }
0x13a: {  	v2 =	vsub.f32 v1, v0;
	v1 =	vadd.f32 v1, v0;
	_ =	sdelay $0x1  }
0x13b: {  	v2 =	vmax.f32 v2, $0.0e+00;
	v1 =	vmin.f32 v1, $0.0e+00  }
0x13c: {  	v1 =	vadd.f32 v1, v2;
	_ =	sdelay $0x1  }
0x13d: {  	[tilespmem:s18+$0xFFFFFFF0] =	vst v1  }
0x13e: {  	v1 =	vld [tilespmem:s20+$0x0];
	_ =	sdelay $0x4  }
0x13f: {  	v2 =	vsub.f32 v1, v0;
	v1 =	vadd.f32 v1, v0  }
.Ltmp2:
0x140: {  	(pc) =	sbr.rel @p0 .LBB2_7-.Ltmp2, $3  }
0x141: {  	v2 =	vmax.f32 v2, $0.0e+00;
	v1 =	vmin.f32 v1, $0.0e+00  }
0x142: {  	v1 =	vadd.f32 v1, v2;
	_ =	sdelay $0x1  }
0x143: {  	s20 =	sadd.s32 $0x200, s20;
	[tilespmem:s18+$0x0] =	vst v1  }
0x144: {  	v0 =	vld [tilespmem:s16+$0x10000]  }
0x145: {  	s18 =	simm.s32 $0x1F0  }
0x146: {  	v1 =	vld [tilespmem:s18+$0xFFFFFF90]  }
0x147: {  	s31 =	sor.u32 $0x3, s17  }
0x148: {  	v2 =	vmov s31  }
0x149: {  	v0 =	vperm.xlane v0, v2;
	_ =	sdelay $0x1  }
0x14a: {  	v2 =	vsub.f32 v1, v0;
	v1 =	vadd.f32 v1, v0;
	_ =	sdelay $0x1  }
0x14b: {  	v2 =	vmax.f32 v2, $0.0e+00;
	v1 =	vmin.f32 v1, $0.0e+00  }
0x14c: {  	v1 =	vadd.f32 v1, v2  }
0x14d: {  	s16 =	simm.s32 $0x81F0  }
0x14e: {  	[tilespmem:s16+$0xFFFFFF90] =	vst v1  }
0x14f: {  	v1 =	vld [tilespmem:s18+$0xFFFFFFA0];
	_ =	sdelay $0x4  }
0x150: {  	v2 =	vsub.f32 v1, v0;
	v1 =	vadd.f32 v1, v0;
	_ =	sdelay $0x1  }
0x151: {  	v2 =	vmax.f32 v2, $0.0e+00;
	v1 =	vmin.f32 v1, $0.0e+00  }
0x152: {  	v1 =	vadd.f32 v1, v2;
	_ =	sdelay $0x1  }
0x153: {  	[tilespmem:s16+$0xFFFFFFA0] =	vst v1  }
0x154: {  	v1 =	vld [tilespmem:s18+$0xFFFFFFB0];
	_ =	sdelay $0x4  }
0x155: {  	v2 =	vsub.f32 v1, v0;
	v1 =	vadd.f32 v1, v0;
	_ =	sdelay $0x1  }
0x156: {  	v2 =	vmax.f32 v2, $0.0e+00;
	v1 =	vmin.f32 v1, $0.0e+00  }
0x157: {  	v1 =	vadd.f32 v1, v2;
	_ =	sdelay $0x1  }
0x158: {  	[tilespmem:s16+$0xFFFFFFB0] =	vst v1  }
0x159: {  	v1 =	vld [tilespmem:s18+$0xFFFFFFC0];
	_ =	sdelay $0x4  }
0x15a: {  	v2 =	vsub.f32 v1, v0;
	v1 =	vadd.f32 v1, v0;
	_ =	sdelay $0x1  }
0x15b: {  	v2 =	vmax.f32 v2, $0.0e+00;
	v1 =	vmin.f32 v1, $0.0e+00  }
0x15c: {  	v1 =	vadd.f32 v1, v2;
	_ =	sdelay $0x1  }
0x15d: {  	[tilespmem:s16+$0xFFFFFFC0] =	vst v1  }
0x15e: {  	v1 =	vld [tilespmem:s18+$0xFFFFFFD0];
	_ =	sdelay $0x4  }
0x15f: {  	v2 =	vsub.f32 v1, v0;
	v1 =	vadd.f32 v1, v0;
	_ =	sdelay $0x1  }
0x160: {  	v2 =	vmax.f32 v2, $0.0e+00;
	v1 =	vmin.f32 v1, $0.0e+00  }
0x161: {  	v1 =	vadd.f32 v1, v2;
	_ =	sdelay $0x1  }
0x162: {  	[tilespmem:s16+$0xFFFFFFD0] =	vst v1  }
0x163: {  	v1 =	vld [tilespmem:s18+$0xFFFFFFE0];
	_ =	sdelay $0x4  }
0x164: {  	v2 =	vsub.f32 v1, v0;
	v1 =	vadd.f32 v1, v0;
	_ =	sdelay $0x1  }
0x165: {  	v2 =	vmax.f32 v2, $0.0e+00;
	v1 =	vmin.f32 v1, $0.0e+00  }
0x166: {  	v1 =	vadd.f32 v1, v2;
	_ =	sdelay $0x1  }
0x167: {  	[tilespmem:s16+$0xFFFFFFE0] =	vst v1  }
0x168: {  	v1 =	vld [tilespmem:s18+$0xFFFFFFF0];
	_ =	sdelay $0x4  }
0x169: {  	v2 =	vsub.f32 v1, v0;
	v1 =	vadd.f32 v1, v0;
	_ =	sdelay $0x1  }
0x16a: {  	v2 =	vmax.f32 v2, $0.0e+00;
	v1 =	vmin.f32 v1, $0.0e+00  }
0x16b: {  	v1 =	vadd.f32 v1, v2;
	_ =	sdelay $0x1  }
0x16c: {  	[tilespmem:s16+$0xFFFFFFF0] =	vst v1  }
0x16d: {  	v1 =	vld [tilespmem:s18+$0x0];
	_ =	sdelay $0x4  }
0x16e: {  	v2 =	vsub.f32 v1, v0;
	v1 =	vadd.f32 v1, v0;
	_ =	sdelay $0x1  }
0x16f: {  	v2 =	vmax.f32 v2, $0.0e+00;
	v1 =	vmin.f32 v1, $0.0e+00  }
0x170: {  	v1 =	vadd.f32 v1, v2;
	_ =	sdelay $0x1  }
0x171: {  	s17 =	simm.s32 $0x0;
	s18 =	simm.s32 $0x3F0;
	[tilespmem:s16+$0x0] =	vst v1  }
.LBB2_9:
0x172: {  	v1 =	vld [tilespmem:s18+$0xFFFFFF90];
	s17 =	sadd.s32 $0x8, s17  }
0x173: {  	p0 =	slt.u32 s17, $0x1F8;
	_ =	sdelay $0x3  }
0x174: {  	v2 =	vsub.f32 v1, v0;
	v1 =	vadd.f32 v1, v0;
	_ =	sdelay $0x1  }
0x175: {  	v2 =	vmax.f32 v2, $0.0e+00;
	v1 =	vmin.f32 v1, $0.0e+00  }
0x176: {  	v1 =	vadd.f32 v1, v2  }
0x177: {  	s16 =	sadd.s32 $0x200, s16  }
0x178: {  	[tilespmem:s16+$0xFFFFFF90] =	vst v1  }
0x179: {  	v1 =	vld [tilespmem:s18+$0xFFFFFFA0];
	_ =	sdelay $0x4  }
0x17a: {  	v2 =	vsub.f32 v1, v0;
	v1 =	vadd.f32 v1, v0;
	_ =	sdelay $0x1  }
0x17b: {  	v2 =	vmax.f32 v2, $0.0e+00;
	v1 =	vmin.f32 v1, $0.0e+00  }
0x17c: {  	v1 =	vadd.f32 v1, v2;
	_ =	sdelay $0x1  }
0x17d: {  	[tilespmem:s16+$0xFFFFFFA0] =	vst v1  }
0x17e: {  	v1 =	vld [tilespmem:s18+$0xFFFFFFB0];
	_ =	sdelay $0x4  }
0x17f: {  	v2 =	vsub.f32 v1, v0;
	v1 =	vadd.f32 v1, v0;
	_ =	sdelay $0x1  }
0x180: {  	v2 =	vmax.f32 v2, $0.0e+00;
	v1 =	vmin.f32 v1, $0.0e+00  }
0x181: {  	v1 =	vadd.f32 v1, v2;
	_ =	sdelay $0x1  }
0x182: {  	[tilespmem:s16+$0xFFFFFFB0] =	vst v1  }
0x183: {  	v1 =	vld [tilespmem:s18+$0xFFFFFFC0];
	_ =	sdelay $0x4  }
0x184: {  	v2 =	vsub.f32 v1, v0;
	v1 =	vadd.f32 v1, v0;
	_ =	sdelay $0x1  }
0x185: {  	v2 =	vmax.f32 v2, $0.0e+00;
	v1 =	vmin.f32 v1, $0.0e+00  }
0x186: {  	v1 =	vadd.f32 v1, v2;
	_ =	sdelay $0x1  }
0x187: {  	[tilespmem:s16+$0xFFFFFFC0] =	vst v1  }
0x188: {  	v1 =	vld [tilespmem:s18+$0xFFFFFFD0];
	_ =	sdelay $0x4  }
0x189: {  	v2 =	vsub.f32 v1, v0;
	v1 =	vadd.f32 v1, v0;
	_ =	sdelay $0x1  }
0x18a: {  	v2 =	vmax.f32 v2, $0.0e+00;
	v1 =	vmin.f32 v1, $0.0e+00  }
0x18b: {  	v1 =	vadd.f32 v1, v2;
	_ =	sdelay $0x1  }
0x18c: {  	[tilespmem:s16+$0xFFFFFFD0] =	vst v1  }
0x18d: {  	v1 =	vld [tilespmem:s18+$0xFFFFFFE0];
	_ =	sdelay $0x4  }
0x18e: {  	v2 =	vsub.f32 v1, v0;
	v1 =	vadd.f32 v1, v0;
	_ =	sdelay $0x1  }
0x18f: {  	v2 =	vmax.f32 v2, $0.0e+00;
	v1 =	vmin.f32 v1, $0.0e+00  }
0x190: {  	v1 =	vadd.f32 v1, v2;
	_ =	sdelay $0x1  }
0x191: {  	[tilespmem:s16+$0xFFFFFFE0] =	vst v1  }
0x192: {  	v1 =	vld [tilespmem:s18+$0xFFFFFFF0];
	_ =	sdelay $0x4  }
0x193: {  	v2 =	vsub.f32 v1, v0;
	v1 =	vadd.f32 v1, v0;
	_ =	sdelay $0x1  }
0x194: {  	v2 =	vmax.f32 v2, $0.0e+00;
	v1 =	vmin.f32 v1, $0.0e+00  }
0x195: {  	v1 =	vadd.f32 v1, v2;
	_ =	sdelay $0x1  }
0x196: {  	[tilespmem:s16+$0xFFFFFFF0] =	vst v1  }
0x197: {  	v1 =	vld [tilespmem:s18+$0x0];
	_ =	sdelay $0x4  }
0x198: {  	v2 =	vsub.f32 v1, v0;
	v1 =	vadd.f32 v1, v0  }
.Ltmp3:
0x199: {  	(pc) =	sbr.rel @p0 .LBB2_9-.Ltmp3, $3  }
0x19a: {  	v2 =	vmax.f32 v2, $0.0e+00;
	v1 =	vmin.f32 v1, $0.0e+00  }
0x19b: {  	v1 =	vadd.f32 v1, v2;
	_ =	sdelay $0x1  }
0x19c: {  	s18 =	sadd.s32 $0x200, s18;
	[tilespmem:s16+$0x0] =	vst v1  }
0x19d: {  	s14 =	sadd.s32 $0x1, s14  }
0x19e: {  	p0 =	sne.s32 s14, $0x10  }
.Ltmp4:
0x19f: {  	s15 =	sadd.s32 s3, s15;
	(pc) =	sbr.rel @p0 .LBB2_2-.Ltmp4, $4  }
0x1a0: {  	[hbm4b:s15+s10] =	stream.strided.scatter [tilespmem:s12], [sflag:$0x1], $0x8000, s11, s10, $0x38;
	[tilespmem:$0x10080] =	vst v63  }
0x1a1: {  	_ =	swait.ge [sflag:s9], $0x8000  }
0x1a2: {  	[sflag:s9] =	ssyncset.done $0x0  }
0x1a3: {  	[sflag:s9] =	ssyncadd.s32 $0xFFFF8000  }
0x1a4: {  	s13 =	sadd.s32 $0x1, s13  }
0x1a5: {  	p0 =	sne.s32 s13, s7  }
.Ltmp5:
0x1a6: {  	_ = 	snop;
	(pc) =	sbr.rel @p0 .LBB2_1-.Ltmp5, $1  }
0x1a7: {  	_ =	sdelay $0x3  }
0x1a8: {  	_ =	sfence.sel $0x180000  }
0x1a9: {  	[bflag:$0x0] =	sbarrier.arrive $0xFFFF  }
0x1aa: {  	p0 =	sne.s32 s2, $0x0;
	_ =	strace $0x90000047  }
0x1ab: {  	s0 =	sadd.s32 @!p0 $0x100000, s0;
	[bflag:$0x2] =	sbarrier.arrive $0xFFFF  }
0x1ac: {  	[sflag:s0] =	ssyncadd.tile.s32 @!p0 $0x1;
	_ =	shalt  }
.Lfunc_end2:
_tile_overlayer_lowered:
.L_overlay_start_2:
0x1ad: {  	(tag) =	ssettag $0x2  }
0x1ae: {  	s0 =	rddreg [dreg:$0x0];
	s2 =	stileid.u32  }
0x1af: {  	s1 =	rddreg [dreg:$0x1];
	p0 =	sne.s32 s2, $0x0  }
0x1b0: {  	s3 =	rddreg [dreg:$0x2];
	[bflag:$0x3] =	sbarrier.arrive $0xFFFF;
	s2 =	simm.s32 @!p0 $0x1C01  }
0x1b1: {  	[timem:s3], [sflag:s2] =	dma.local @!p0 [hbm:s0], s1  }
0x1b2: {  	s0 =	simm.s32 @!p0 $0x1  }
0x1b3: {  	_ =	swait.ge @!p0 [sflag:s0], s1  }
0x1b4: {  	s1 =	ssub.s32 @!p0 $0x0, s1;
	[sflag:s0] =	ssyncset.done @!p0 $0x0  }
0x1b5: {  	[sflag:s0] =	ssyncadd.s32 @!p0 s1  }
0x1b6: {  	[bflag:$0x3] =	sbarrier.arrive $0xFFFF  }
0x1b7: {  	_ =	shalt  }

</sc_bundles>
